<compile_context>
chip_gen: v7x
topology: tpu7x:2x2x1
jax: 0.10.2.dev20260603
libtpu: 0.0.44.dev20260713+nightly
codegen_flags: <defaults>
</compile_context>

<pallas_src>
import functools

import jax
import jax.numpy as jnp
import numpy as np
from jax import lax
from jax.experimental import pallas as pl
from jax.experimental.pallas import tpu as pltpu
from jax.experimental.pallas import tpu_sc as plsc

VOCAB = 30000
EMB_DIM = 2
BATCH = 16384
HIST = 200

NUM_CORES = 2
NUM_SUBCORES = 16
LANES = 16
NW = NUM_CORES * NUM_SUBCORES
ROWS_PER_W = BATCH // NW
BLOCK = 128
N_BLOCKS = ROWS_PER_W // BLOCK
GROUPS = BLOCK // LANES


def _mesh_kernel():
    mesh = plsc.VectorSubcoreMesh(core_axis_name="c", subcore_axis_name="s")

    @functools.partial(
        pl.kernel,
        mesh=mesh,
        compiler_params=pltpu.CompilerParams(needs_layout_passes=False),
        out_type=(
            jax.ShapeDtypeStruct((BATCH,), jnp.float32),
            jax.ShapeDtypeStruct((BATCH,), jnp.float32),
        ),
        scratch_types=[
            pltpu.VMEM((VOCAB,), jnp.float32),
            pltpu.VMEM((HIST, BLOCK), jnp.int32),
            pltpu.VMEM((HIST, BLOCK), jnp.int32),
            pltpu.VMEM((BLOCK,), jnp.float32),
            pltpu.VMEM((BLOCK,), jnp.float32),
            pltpu.SemaphoreType.DMA,
            pltpu.SemaphoreType.DMA,
            pltpu.SemaphoreType.DMA,
        ],
    )
    def body(xt_hbm, diff_hbm, p0_hbm, p1_hbm,
             diff_v, xa_v, xb_v, p0_v, p1_v, sem_d, sem_a, sem_b):
        wid = lax.axis_index("s") * NUM_CORES + lax.axis_index("c")
        iota = lax.broadcasted_iota(jnp.int32, (LANES,), 0)
        zero_i = jnp.zeros((LANES,), jnp.int32)
        one_i = jnp.ones((LANES,), jnp.int32)
        zero_f = jnp.zeros((LANES,), jnp.float32)

        base_row = wid * ROWS_PER_W
        inv_hist = np.float32(1.0 / HIST)

        bufs = (xa_v, xb_v)
        sems = (sem_a, sem_b)

        def start_block(c):
            row0 = base_row + c * BLOCK
            return pltpu.async_copy(
                xt_hbm.at[pl.ds(0, HIST), pl.ds(row0, BLOCK)],
                bufs[c % 2], sems[c % 2])

        diff_cp = pltpu.async_copy(diff_hbm, diff_v, sem_d)
        pending = start_block(0)
        diff_cp.wait()
        plsc.store_scatter(diff_v, [zero_i], zero_f, mask=iota < 1)

        for c in range(N_BLOCKS):
            row0 = base_row + c * BLOCK
            x_v = bufs[c % 2]
            pending.wait()
            if c + 1 < N_BLOCKS:
                pending = start_block(c + 1)
            def group_body(g, group_carry, x_v=x_v):
                bvec = iota + g * LANES

                def step(l, carry):
                    acc0, acc1, acc2, acc3, lvec = carry
                    xv0 = plsc.load_gather(x_v, [lvec, bvec])
                    dv0 = plsc.load_gather(diff_v, [xv0])
                    xv1 = plsc.load_gather(x_v, [lvec + 1, bvec])
                    dv1 = plsc.load_gather(diff_v, [xv1])
                    xv2 = plsc.load_gather(x_v, [lvec + 2, bvec])
                    dv2 = plsc.load_gather(diff_v, [xv2])
                    xv3 = plsc.load_gather(x_v, [lvec + 3, bvec])
                    dv3 = plsc.load_gather(diff_v, [xv3])
                    return (acc0 + dv0, acc1 + dv1, acc2 + dv2, acc3 + dv3,
                            lvec + 4)

                acc0, acc1, acc2, acc3, _ = lax.fori_loop(
                    0, HIST // 4, step,
                    (zero_f, zero_f, zero_f, zero_f, zero_i), unroll=5)
                acc = (acc0 + acc1) + (acc2 + acc3)
                d = acc * inv_hist
                e = jnp.exp(d)
                p0 = 1.0 / (1.0 + e)
                p1 = 1.0 - p0
                p0_v[pl.ds(g * LANES, LANES)] = p0
                p1_v[pl.ds(g * LANES, LANES)] = p1
                return group_carry

            lax.fori_loop(0, GROUPS, group_body, 0)
            pltpu.sync_copy(p0_v, p0_hbm.at[pl.ds(row0, BLOCK)])
            pltpu.sync_copy(p1_v, p1_hbm.at[pl.ds(row0, BLOCK)])

    return body


_sc_kernel = _mesh_kernel()


@jax.jit
def kernel(x, emb):
    diff = emb[:, 1] - emb[:, 0]
    p0, p1 = _sc_kernel(x.T, diff)
    return jnp.stack([p0, p1], axis=1)

# --- scband reference (transcript-rebuilt; emitter-appended) ---
"""Pipeline reference for scband-snp-dnn-lr-41145786696220 (READ-ONLY COPY).

The authoritative reference and input builder live on the scoring server;
editing this copy changes nothing except your own understanding.
"""

import jax, jax.numpy as jnp
import numpy as np

VOCAB = 30000
EMB_DIM = 2
BATCH = 16384
HIST = 200

def setup_inputs(seed: int = 0) -> dict:
    key = jax.random.key(seed)
    k1, k2 = jax.random.split(key)
    x = jax.random.randint(k1, (BATCH, HIST), 0, VOCAB, dtype=jnp.int64 if jax.config.jax_enable_x64 else jnp.int32)
    emb = jax.random.normal(k2, (VOCAB, EMB_DIM), dtype=jnp.float32)
    return {"x": x, "emb": emb}

def reference(x, emb):
    # nn.Embedding(30000, 2, padding_idx=0): row 0 acts as the padding row.
    emb_eff = emb.at[0].set(jnp.zeros((EMB_DIM,), dtype=emb.dtype))
    x_emb = jnp.take(emb_eff, x, axis=0)          # [B, L, 2] gather
    logits = jnp.mean(x_emb, axis=1)               # [B, 2]
    prob = jax.nn.softmax(logits, axis=1)          # softmax over dim=1 (the 2-dim embed axis)
    return prob

if __name__ == "__main__":
    import jax
    _d = setup_inputs()
    print(jax.jit(kernel)(*tuple(_d.values())))

</pallas_src>

<mosaic_0001>
#map = affine_map<(d0, d1) -> (0, 0)>
#map1 = affine_map<(d0, d1) -> (0)>
module attributes {stable_mosaic.version = 14 : i64} {
  func.func @body(%arg0: i32, %arg1: i32, %arg2: memref<200x16384xi32, #tpu.memory_space<hbm>>, %arg3: memref<30000xf32, #tpu.memory_space<hbm>>, %arg4: memref<16384xf32, #tpu.memory_space<hbm>>, %arg5: memref<16384xf32, #tpu.memory_space<hbm>>, %arg6: memref<30000xf32, #tpu.memory_space<vmem>>, %arg7: memref<200x128xi32, #tpu.memory_space<vmem>>, %arg8: memref<200x128xi32, #tpu.memory_space<vmem>>, %arg9: memref<128xf32, #tpu.memory_space<vmem>>, %arg10: memref<128xf32, #tpu.memory_space<vmem>>, %arg11: memref<!tpu.dma_semaphore, #tpu.memory_space<semaphore_mem>>, %arg12: memref<!tpu.dma_semaphore, #tpu.memory_space<semaphore_mem>>, %arg13: memref<!tpu.dma_semaphore, #tpu.memory_space<semaphore_mem>>) attributes {dimension_semantics = [#tpu.dimension_semantics<core_parallel>, #tpu.dimension_semantics<subcore_parallel>], iteration_bounds = array<i64: 2, 16>, scalar_prefetch = 0 : i64, scratch_operands = 8 : i64, tpu.core_type = #tpu.core_type<sc_vector_subcore>, window_params = [{transform_indices = #map}, {transform_indices = #map1}, {transform_indices = #map1}, {transform_indices = #map1}]} {
    %mul3A = arith.constant 2 : i32
    %mul3A_0 = arith.muli %arg1, %mul3A : i32
    %add3A = arith.addi %mul3A_0, %arg0 : i32
    %iota3A = tpu.iota {dimensions = array<i32: 0>} : vector<16xi32>
    %broadcast_in_dim3A = arith.constant 0 : i32
    %broadcast_in_dim3A_1 = vector.broadcast %broadcast_in_dim3A : i32 to vector<16xi32>
    %broadcast_in_dim3A_2 = arith.constant 1 : i32
    %broadcast_in_dim3A_3 = vector.broadcast %broadcast_in_dim3A_2 : i32 to vector<16xi32>
    %broadcast_in_dim3A_4 = arith.constant 0.000000e+00 : f32
    %broadcast_in_dim3A_5 = vector.broadcast %broadcast_in_dim3A_4 : f32 to vector<16xf32>
    %mul3A_6 = arith.constant 512 : i32
    %mul3A_7 = arith.muli %add3A, %mul3A_6 : i32
    tpu.enqueue_dma source(%arg3 : memref<30000xf32, #tpu.memory_space<hbm>>) target(%arg6 : memref<30000xf32, #tpu.memory_space<vmem>>) target_semaphore(%arg11 : memref<!tpu.dma_semaphore, #tpu.memory_space<semaphore_mem>>)
    %add3A_8 = arith.constant 0 : i32
    %add3A_9 = arith.addi %mul3A_7, %add3A_8 : i32
    %dma_start3A = arith.constant 0 : i32
    %dma_start3A_10 = tpu.memref_slice %arg2[%dma_start3A, %add3A_9] : memref<200x16384xi32, #tpu.memory_space<hbm>> -> memref<200x128xi32, #tpu.memory_space<hbm>>
    %dma_start3A_11 = arith.constant 0 : i32
    %dma_start3A_12 = tpu.memref_slice %arg2[%dma_start3A_11, %add3A_9] : memref<200x16384xi32, #tpu.memory_space<hbm>> -> memref<200x128xi32, #tpu.memory_space<hbm>>
    tpu.enqueue_dma source(%dma_start3A_12 : memref<200x128xi32, #tpu.memory_space<hbm>>) target(%arg7 : memref<200x128xi32, #tpu.memory_space<vmem>>) target_semaphore(%arg12 : memref<!tpu.dma_semaphore, #tpu.memory_space<semaphore_mem>>)
    tpu.wait_dma2 semaphore(%arg11 : memref<!tpu.dma_semaphore, #tpu.memory_space<semaphore_mem>>) src(%arg3 : memref<30000xf32, #tpu.memory_space<hbm>>) dst(%arg6 : memref<30000xf32, #tpu.memory_space<vmem>>)
    %lt3A = arith.constant 1 : i32
    %lt3A_13 = vector.broadcast %lt3A : i32 to vector<16xi32>
    %lt3A_14 = arith.cmpi slt, %iota3A, %lt3A_13 : vector<16xi32>
    tpu.vector_store_idx %arg6[%broadcast_in_dim3A_1], %broadcast_in_dim3A_5 masked %lt3A_14 : memref<30000xf32, #tpu.memory_space<vmem>>[vector<16xi32>], vector<16xf32>, vector<16xi1>
    %add3A_15 = arith.constant 0 : i32
    %add3A_16 = arith.addi %mul3A_7, %add3A_15 : i32
    %dma_wait3A = arith.constant 0 : i32
    %dma_wait3A_17 = tpu.memref_slice %arg2[%dma_wait3A, %add3A_9] : memref<200x16384xi32, #tpu.memory_space<hbm>> -> memref<200x128xi32, #tpu.memory_space<hbm>>
    %dma_wait3A_18 = arith.constant 0 : i32
    %dma_wait3A_19 = tpu.memref_slice %arg2[%dma_wait3A_18, %add3A_9] : memref<200x16384xi32, #tpu.memory_space<hbm>> -> memref<200x128xi32, #tpu.memory_space<hbm>>
    tpu.wait_dma2 semaphore(%arg12 : memref<!tpu.dma_semaphore, #tpu.memory_space<semaphore_mem>>) src(%dma_wait3A_19 : memref<200x128xi32, #tpu.memory_space<hbm>>) dst(%arg7 : memref<200x128xi32, #tpu.memory_space<vmem>>)
    %add3A_20 = arith.constant 128 : i32
    %add3A_21 = arith.addi %mul3A_7, %add3A_20 : i32
    %dma_start3A_22 = arith.constant 0 : i32
    %dma_start3A_23 = tpu.memref_slice %arg2[%dma_start3A_22, %add3A_21] : memref<200x16384xi32, #tpu.memory_space<hbm>> -> memref<200x128xi32, #tpu.memory_space<hbm>>
    %dma_start3A_24 = arith.constant 0 : i32
    %dma_start3A_25 = tpu.memref_slice %arg2[%dma_start3A_24, %add3A_21] : memref<200x16384xi32, #tpu.memory_space<hbm>> -> memref<200x128xi32, #tpu.memory_space<hbm>>
    tpu.enqueue_dma source(%dma_start3A_25 : memref<200x128xi32, #tpu.memory_space<hbm>>) target(%arg8 : memref<200x128xi32, #tpu.memory_space<vmem>>) target_semaphore(%arg13 : memref<!tpu.dma_semaphore, #tpu.memory_space<semaphore_mem>>)
    %scan3A = arith.constant 0 : i32
    %scan3A_26 = arith.constant 0 : i32
    %scan3A_27 = arith.constant 8 : i32
    %scan3A_28 = arith.addi %scan3A_26, %scan3A_27 : i32
    %scan3A_29 = arith.constant 1 : i32
    scf.for %scan3A_79 = %scan3A_26 to %scan3A_28 step %scan3A_29  : i32 {
      %mul3A_80 = arith.constant 16 : i32
      %mul3A_81 = arith.muli %scan3A_79, %mul3A_80 : i32
      %add3A_82 = vector.broadcast %mul3A_81 : i32 to vector<16xi32>
      %add3A_83 = arith.addi %iota3A, %add3A_82 : vector<16xi32>
      %scan3A_84 = arith.constant 0 : i32
      %scan3A_85 = arith.constant 50 : i32
      %scan3A_86 = arith.addi %scan3A_84, %scan3A_85 : i32
      %scan3A_87 = arith.constant 5 : i32
      %scan3A_88:5 = scf.for %scan3A_110 = %scan3A_84 to %scan3A_86 step %scan3A_87 iter_args(%scan3A_111 = %broadcast_in_dim3A_5, %scan3A_112 = %broadcast_in_dim3A_5, %scan3A_113 = %broadcast_in_dim3A_5, %scan3A_114 = %broadcast_in_dim3A_5, %scan3A_115 = %broadcast_in_dim3A_1) -> (vector<16xf32>, vector<16xf32>, vector<16xf32>, vector<16xf32>, vector<16xi32>)  : i32 {
        %gather3A = tpu.vector_load_idx %arg7[%scan3A_115, %add3A_83] : memref<200x128xi32, #tpu.memory_space<vmem>>[vector<16xi32>, vector<16xi32>], vector<16xi32>,
        %gather3A_116 = tpu.vector_load_idx %arg6[%gather3A] : memref<30000xf32, #tpu.memory_space<vmem>>[vector<16xi32>], vector<16xf32>,
        %add3A_117 = arith.constant 1 : i32
        %add3A_118 = vector.broadcast %add3A_117 : i32 to vector<16xi32>
        %add3A_119 = arith.addi %scan3A_115, %add3A_118 : vector<16xi32>
        %gather3A_120 = tpu.vector_load_idx %arg7[%add3A_119, %add3A_83] : memref<200x128xi32, #tpu.memory_space<vmem>>[vector<16xi32>, vector<16xi32>], vector<16xi32>,
        %gather3A_121 = tpu.vector_load_idx %arg6[%gather3A_120] : memref<30000xf32, #tpu.memory_space<vmem>>[vector<16xi32>], vector<16xf32>,
        %add3A_122 = arith.constant 2 : i32
        %add3A_123 = vector.broadcast %add3A_122 : i32 to vector<16xi32>
        %add3A_124 = arith.addi %scan3A_115, %add3A_123 : vector<16xi32>
        %gather3A_125 = tpu.vector_load_idx %arg7[%add3A_124, %add3A_83] : memref<200x128xi32, #tpu.memory_space<vmem>>[vector<16xi32>, vector<16xi32>], vector<16xi32>,
        %gather3A_126 = tpu.vector_load_idx %arg6[%gather3A_125] : memref<30000xf32, #tpu.memory_space<vmem>>[vector<16xi32>], vector<16xf32>,
        %add3A_127 = arith.constant 3 : i32
        %add3A_128 = vector.broadcast %add3A_127 : i32 to vector<16xi32>
        %add3A_129 = arith.addi %scan3A_115, %add3A_128 : vector<16xi32>
        %gather3A_130 = tpu.vector_load_idx %arg7[%add3A_129, %add3A_83] : memref<200x128xi32, #tpu.memory_space<vmem>>[vector<16xi32>, vector<16xi32>], vector<16xi32>,
        %gather3A_131 = tpu.vector_load_idx %arg6[%gather3A_130] : memref<30000xf32, #tpu.memory_space<vmem>>[vector<16xi32>], vector<16xf32>,
        %add3A_132 = arith.addf %scan3A_111, %gather3A_116 : vector<16xf32>
        %add3A_133 = arith.addf %scan3A_112, %gather3A_121 : vector<16xf32>
        %add3A_134 = arith.addf %scan3A_113, %gather3A_126 : vector<16xf32>
        %add3A_135 = arith.addf %scan3A_114, %gather3A_131 : vector<16xf32>
        %add3A_136 = arith.constant 4 : i32
        %add3A_137 = vector.broadcast %add3A_136 : i32 to vector<16xi32>
        %add3A_138 = arith.addi %scan3A_115, %add3A_137 : vector<16xi32>
        %scan3A_139 = arith.constant 1 : i32
        %scan3A_140 = arith.addi %scan3A_110, %scan3A_139 : i32
        %gather3A_141 = tpu.vector_load_idx %arg7[%add3A_138, %add3A_83] : memref<200x128xi32, #tpu.memory_space<vmem>>[vector<16xi32>, vector<16xi32>], vector<16xi32>,
        %gather3A_142 = tpu.vector_load_idx %arg6[%gather3A_141] : memref<30000xf32, #tpu.memory_space<vmem>>[vector<16xi32>], vector<16xf32>,
        %add3A_143 = arith.constant 1 : i32
        %add3A_144 = vector.broadcast %add3A_143 : i32 to vector<16xi32>
        %add3A_145 = arith.addi %add3A_138, %add3A_144 : vector<16xi32>
        %gather3A_146 = tpu.vector_load_idx %arg7[%add3A_145, %add3A_83] : memref<200x128xi32, #tpu.memory_space<vmem>>[vector<16xi32>, vector<16xi32>], vector<16xi32>,
        %gather3A_147 = tpu.vector_load_idx %arg6[%gather3A_146] : memref<30000xf32, #tpu.memory_space<vmem>>[vector<16xi32>], vector<16xf32>,
        %add3A_148 = arith.constant 2 : i32
        %add3A_149 = vector.broadcast %add3A_148 : i32 to vector<16xi32>
        %add3A_150 = arith.addi %add3A_138, %add3A_149 : vector<16xi32>
        %gather3A_151 = tpu.vector_load_idx %arg7[%add3A_150, %add3A_83] : memref<200x128xi32, #tpu.memory_space<vmem>>[vector<16xi32>, vector<16xi32>], vector<16xi32>,
        %gather3A_152 = tpu.vector_load_idx %arg6[%gather3A_151] : memref<30000xf32, #tpu.memory_space<vmem>>[vector<16xi32>], vector<16xf32>,
        %add3A_153 = arith.constant 3 : i32
        %add3A_154 = vector.broadcast %add3A_153 : i32 to vector<16xi32>
        %add3A_155 = arith.addi %add3A_138, %add3A_154 : vector<16xi32>
        %gather3A_156 = tpu.vector_load_idx %arg7[%add3A_155, %add3A_83] : memref<200x128xi32, #tpu.memory_space<vmem>>[vector<16xi32>, vector<16xi32>], vector<16xi32>,
        %gather3A_157 = tpu.vector_load_idx %arg6[%gather3A_156] : memref<30000xf32, #tpu.memory_space<vmem>>[vector<16xi32>], vector<16xf32>,
        %add3A_158 = arith.addf %add3A_132, %gather3A_142 : vector<16xf32>
        %add3A_159 = arith.addf %add3A_133, %gather3A_147 : vector<16xf32>
        %add3A_160 = arith.addf %add3A_134, %gather3A_152 : vector<16xf32>
        %add3A_161 = arith.addf %add3A_135, %gather3A_157 : vector<16xf32>
        %add3A_162 = arith.constant 4 : i32
        %add3A_163 = vector.broadcast %add3A_162 : i32 to vector<16xi32>
        %add3A_164 = arith.addi %add3A_138, %add3A_163 : vector<16xi32>
        %scan3A_165 = arith.constant 2 : i32
        %scan3A_166 = arith.addi %scan3A_110, %scan3A_165 : i32
        %gather3A_167 = tpu.vector_load_idx %arg7[%add3A_164, %add3A_83] : memref<200x128xi32, #tpu.memory_space<vmem>>[vector<16xi32>, vector<16xi32>], vector<16xi32>,
        %gather3A_168 = tpu.vector_load_idx %arg6[%gather3A_167] : memref<30000xf32, #tpu.memory_space<vmem>>[vector<16xi32>], vector<16xf32>,
        %add3A_169 = arith.constant 1 : i32
        %add3A_170 = vector.broadcast %add3A_169 : i32 to vector<16xi32>
        %add3A_171 = arith.addi %add3A_164, %add3A_170 : vector<16xi32>
        %gather3A_172 = tpu.vector_load_idx %arg7[%add3A_171, %add3A_83] : memref<200x128xi32, #tpu.memory_space<vmem>>[vector<16xi32>, vector<16xi32>], vector<16xi32>,
        %gather3A_173 = tpu.vector_load_idx %arg6[%gather3A_172] : memref<30000xf32, #tpu.memory_space<vmem>>[vector<16xi32>], vector<16xf32>,
        %add3A_174 = arith.constant 2 : i32
        %add3A_175 = vector.broadcast %add3A_174 : i32 to vector<16xi32>
        %add3A_176 = arith.addi %add3A_164, %add3A_175 : vector<16xi32>
        %gather3A_177 = tpu.vector_load_idx %arg7[%add3A_176, %add3A_83] : memref<200x128xi32, #tpu.memory_space<vmem>>[vector<16xi32>, vector<16xi32>], vector<16xi32>,
        %gather3A_178 = tpu.vector_load_idx %arg6[%gather3A_177] : memref<30000xf32, #tpu.memory_space<vmem>>[vector<16xi32>], vector<16xf32>,
        %add3A_179 = arith.constant 3 : i32
        %add3A_180 = vector.broadcast %add3A_179 : i32 to vector<16xi32>
        %add3A_181 = arith.addi %add3A_164, %add3A_180 : vector<16xi32>
        %gather3A_182 = tpu.vector_load_idx %arg7[%add3A_181, %add3A_83] : memref<200x128xi32, #tpu.memory_space<vmem>>[vector<16xi32>, vector<16xi32>], vector<16xi32>,
        %gather3A_183 = tpu.vector_load_idx %arg6[%gather3A_182] : memref<30000xf32, #tpu.memory_space<vmem>>[vector<16xi32>], vector<16xf32>,
        %add3A_184 = arith.addf %add3A_158, %gather3A_168 : vector<16xf32>
        %add3A_185 = arith.addf %add3A_159, %gather3A_173 : vector<16xf32>
        %add3A_186 = arith.addf %add3A_160, %gather3A_178 : vector<16xf32>
        %add3A_187 = arith.addf %add3A_161, %gather3A_183 : vector<16xf32>
        %add3A_188 = arith.constant 4 : i32
        %add3A_189 = vector.broadcast %add3A_188 : i32 to vector<16xi32>
        %add3A_190 = arith.addi %add3A_164, %add3A_189 : vector<16xi32>
        %scan3A_191 = arith.constant 3 : i32
        %scan3A_192 = arith.addi %scan3A_110, %scan3A_191 : i32
        %gather3A_193 = tpu.vector_load_idx %arg7[%add3A_190, %add3A_83] : memref<200x128xi32, #tpu.memory_space<vmem>>[vector<16xi32>, vector<16xi32>], vector<16xi32>,
        %gather3A_194 = tpu.vector_load_idx %arg6[%gather3A_193] : memref<30000xf32, #tpu.memory_space<vmem>>[vector<16xi32>], vector<16xf32>,
        %add3A_195 = arith.constant 1 : i32
        %add3A_196 = vector.broadcast %add3A_195 : i32 to vector<16xi32>
        %add3A_197 = arith.addi %add3A_190, %add3A_196 : vector<16xi32>
        %gather3A_198 = tpu.vector_load_idx %arg7[%add3A_197, %add3A_83] : memref<200x128xi32, #tpu.memory_space<vmem>>[vector<16xi32>, vector<16xi32>], vector<16xi32>,
        %gather3A_199 = tpu.vector_load_idx %arg6[%gather3A_198] : memref<30000xf32, #tpu.memory_space<vmem>>[vector<16xi32>], vector<16xf32>,
        %add3A_200 = arith.constant 2 : i32
        %add3A_201 = vector.broadcast %add3A_200 : i32 to vector<16xi32>
        %add3A_202 = arith.addi %add3A_190, %add3A_201 : vector<16xi32>
        %gather3A_203 = tpu.vector_load_idx %arg7[%add3A_202, %add3A_83] : memref<200x128xi32, #tpu.memory_space<vmem>>[vector<16xi32>, vector<16xi32>], vector<16xi32>,
        %gather3A_204 = tpu.vector_load_idx %arg6[%gather3A_203] : memref<30000xf32, #tpu.memory_space<vmem>>[vector<16xi32>], vector<16xf32>,
        %add3A_205 = arith.constant 3 : i32
        %add3A_206 = vector.broadcast %add3A_205 : i32 to vector<16xi32>
        %add3A_207 = arith.addi %add3A_190, %add3A_206 : vector<16xi32>
        %gather3A_208 = tpu.vector_load_idx %arg7[%add3A_207, %add3A_83] : memref<200x128xi32, #tpu.memory_space<vmem>>[vector<16xi32>, vector<16xi32>], vector<16xi32>,
        %gather3A_209 = tpu.vector_load_idx %arg6[%gather3A_208] : memref<30000xf32, #tpu.memory_space<vmem>>[vector<16xi32>], vector<16xf32>,
        %add3A_210 = arith.addf %add3A_184, %gather3A_194 : vector<16xf32>
        %add3A_211 = arith.addf %add3A_185, %gather3A_199 : vector<16xf32>
        %add3A_212 = arith.addf %add3A_186, %gather3A_204 : vector<16xf32>
        %add3A_213 = arith.addf %add3A_187, %gather3A_209 : vector<16xf32>
        %add3A_214 = arith.constant 4 : i32
        %add3A_215 = vector.broadcast %add3A_214 : i32 to vector<16xi32>
        %add3A_216 = arith.addi %add3A_190, %add3A_215 : vector<16xi32>
        %scan3A_217 = arith.constant 4 : i32
        %scan3A_218 = arith.addi %scan3A_110, %scan3A_217 : i32
        %gather3A_219 = tpu.vector_load_idx %arg7[%add3A_216, %add3A_83] : memref<200x128xi32, #tpu.memory_space<vmem>>[vector<16xi32>, vector<16xi32>], vector<16xi32>,
        %gather3A_220 = tpu.vector_load_idx %arg6[%gather3A_219] : memref<30000xf32, #tpu.memory_space<vmem>>[vector<16xi32>], vector<16xf32>,
        %add3A_221 = arith.constant 1 : i32
        %add3A_222 = vector.broadcast %add3A_221 : i32 to vector<16xi32>
        %add3A_223 = arith.addi %add3A_216, %add3A_222 : vector<16xi32>
        %gather3A_224 = tpu.vector_load_idx %arg7[%add3A_223, %add3A_83] : memref<200x128xi32, #tpu.memory_space<vmem>>[vector<16xi32>, vector<16xi32>], vector<16xi32>,
        %gather3A_225 = tpu.vector_load_idx %arg6[%gather3A_224] : memref<30000xf32, #tpu.memory_space<vmem>>[vector<16xi32>], vector<16xf32>,
        %add3A_226 = arith.constant 2 : i32
        %add3A_227 = vector.broadcast %add3A_226 : i32 to vector<16xi32>
        %add3A_228 = arith.addi %add3A_216, %add3A_227 : vector<16xi32>
        %gather3A_229 = tpu.vector_load_idx %arg7[%add3A_228, %add3A_83] : memref<200x128xi32, #tpu.memory_space<vmem>>[vector<16xi32>, vector<16xi32>], vector<16xi32>,
        %gather3A_230 = tpu.vector_load_idx %arg6[%gather3A_229] : memref<30000xf32, #tpu.memory_space<vmem>>[vector<16xi32>], vector<16xf32>,
        %add3A_231 = arith.constant 3 : i32
        %add3A_232 = vector.broadcast %add3A_231 : i32 to vector<16xi32>
        %add3A_233 = arith.addi %add3A_216, %add3A_232 : vector<16xi32>
        %gather3A_234 = tpu.vector_load_idx %arg7[%add3A_233, %add3A_83] : memref<200x128xi32, #tpu.memory_space<vmem>>[vector<16xi32>, vector<16xi32>], vector<16xi32>,
        %gather3A_235 = tpu.vector_load_idx %arg6[%gather3A_234] : memref<30000xf32, #tpu.memory_space<vmem>>[vector<16xi32>], vector<16xf32>,
        %add3A_236 = arith.addf %add3A_210, %gather3A_220 : vector<16xf32>
        %add3A_237 = arith.addf %add3A_211, %gather3A_225 : vector<16xf32>
        %add3A_238 = arith.addf %add3A_212, %gather3A_230 : vector<16xf32>
        %add3A_239 = arith.addf %add3A_213, %gather3A_235 : vector<16xf32>
        %add3A_240 = arith.constant 4 : i32
        %add3A_241 = vector.broadcast %add3A_240 : i32 to vector<16xi32>
        %add3A_242 = arith.addi %add3A_216, %add3A_241 : vector<16xi32>
        scf.yield %add3A_236, %add3A_237, %add3A_238, %add3A_239, %add3A_242 : vector<16xf32>, vector<16xf32>, vector<16xf32>, vector<16xf32>, vector<16xi32>
      }
      %scan3A_89 = arith.constant 50 : i32
      %add3A_90 = arith.addf %scan3A_88#0, %scan3A_88#1 : vector<16xf32>
      %add3A_91 = arith.addf %scan3A_88#2, %scan3A_88#3 : vector<16xf32>
      %add3A_92 = arith.addf %add3A_90, %add3A_91 : vector<16xf32>
      %mul3A_93 = arith.constant 5.000000e-03 : f32
      %mul3A_94 = vector.broadcast %mul3A_93 : f32 to vector<16xf32>
      %mul3A_95 = arith.mulf %add3A_92, %mul3A_94 : vector<16xf32>
      %exp3A = math.exp %mul3A_95 : vector<16xf32>
      %add3A_96 = arith.constant 1.000000e+00 : f32
      %add3A_97 = vector.broadcast %add3A_96 : f32 to vector<16xf32>
      %add3A_98 = arith.addf %add3A_97, %exp3A : vector<16xf32>
      %div3A = arith.constant 1.000000e+00 : f32
      %div3A_99 = vector.broadcast %div3A : f32 to vector<16xf32>
      %div3A_100 = arith.divf %div3A_99, %add3A_98 : vector<16xf32>
      %sub3A = arith.constant 1.000000e+00 : f32
      %sub3A_101 = vector.broadcast %sub3A : f32 to vector<16xf32>
      %sub3A_102 = arith.subf %sub3A_101, %div3A_100 : vector<16xf32>
      %mul3A_103 = arith.constant 16 : i32
      %mul3A_104 = arith.muli %scan3A_79, %mul3A_103 : i32
      %swap3A = arith.index_cast %mul3A_104 : i32 to index
      %swap3A_105 = tpu.vector_load %arg9[%swap3A] {strides = array<i32>} : memref<128xf32, #tpu.memory_space<vmem>>, vector<16xf32>,
      tpu.vector_store %arg9[%swap3A], %div3A_100 {strides = array<i32>} : memref<128xf32, #tpu.memory_space<vmem>>, vector<16xf32>,
      %mul3A_106 = arith.constant 16 : i32
      %mul3A_107 = arith.muli %scan3A_79, %mul3A_106 : i32
      %swap3A_108 = arith.index_cast %mul3A_107 : i32 to index
      %swap3A_109 = tpu.vector_load %arg10[%swap3A_108] {strides = array<i32>} : memref<128xf32, #tpu.memory_space<vmem>>, vector<16xf32>,
      tpu.vector_store %arg10[%swap3A_108], %sub3A_102 {strides = array<i32>} : memref<128xf32, #tpu.memory_space<vmem>>, vector<16xf32>,
    }
    %scan3A_30 = arith.constant 8 : i32
    "tpu.region"() ({
      %run_scoped3A = tpu.sem_alloc : memref<!tpu.dma_semaphore, #tpu.memory_space<semaphore_mem>>
      %dma_start3A_79 = tpu.memref_slice %arg4[%add3A_16] : memref<16384xf32, #tpu.memory_space<hbm>> -> memref<128xf32, #tpu.memory_space<hbm>>
      %dma_start3A_80 = tpu.memref_slice %arg4[%add3A_16] : memref<16384xf32, #tpu.memory_space<hbm>> -> memref<128xf32, #tpu.memory_space<hbm>>
      tpu.enqueue_dma source(%arg9 : memref<128xf32, #tpu.memory_space<vmem>>) target(%dma_start3A_80 : memref<128xf32, #tpu.memory_space<hbm>>) target_semaphore(%run_scoped3A : memref<!tpu.dma_semaphore, #tpu.memory_space<semaphore_mem>>)
      %dma_wait3A_81 = tpu.memref_slice %arg4[%add3A_16] : memref<16384xf32, #tpu.memory_space<hbm>> -> memref<128xf32, #tpu.memory_space<hbm>>
      %dma_wait3A_82 = tpu.memref_slice %arg4[%add3A_16] : memref<16384xf32, #tpu.memory_space<hbm>> -> memref<128xf32, #tpu.memory_space<hbm>>
      tpu.wait_dma2 semaphore(%run_scoped3A : memref<!tpu.dma_semaphore, #tpu.memory_space<semaphore_mem>>) src(%arg9 : memref<128xf32, #tpu.memory_space<vmem>>) dst(%dma_wait3A_82 : memref<128xf32, #tpu.memory_space<hbm>>)
      tpu.yield
    }) : () -> ()
    "tpu.region"() ({
      %run_scoped3A = tpu.sem_alloc : memref<!tpu.dma_semaphore, #tpu.memory_space<semaphore_mem>>
      %dma_start3A_79 = tpu.memref_slice %arg5[%add3A_16] : memref<16384xf32, #tpu.memory_space<hbm>> -> memref<128xf32, #tpu.memory_space<hbm>>
      %dma_start3A_80 = tpu.memref_slice %arg5[%add3A_16] : memref<16384xf32, #tpu.memory_space<hbm>> -> memref<128xf32, #tpu.memory_space<hbm>>
      tpu.enqueue_dma source(%arg10 : memref<128xf32, #tpu.memory_space<vmem>>) target(%dma_start3A_80 : memref<128xf32, #tpu.memory_space<hbm>>) target_semaphore(%run_scoped3A : memref<!tpu.dma_semaphore, #tpu.memory_space<semaphore_mem>>)
      %dma_wait3A_81 = tpu.memref_slice %arg5[%add3A_16] : memref<16384xf32, #tpu.memory_space<hbm>> -> memref<128xf32, #tpu.memory_space<hbm>>
      %dma_wait3A_82 = tpu.memref_slice %arg5[%add3A_16] : memref<16384xf32, #tpu.memory_space<hbm>> -> memref<128xf32, #tpu.memory_space<hbm>>
      tpu.wait_dma2 semaphore(%run_scoped3A : memref<!tpu.dma_semaphore, #tpu.memory_space<semaphore_mem>>) src(%arg10 : memref<128xf32, #tpu.memory_space<vmem>>) dst(%dma_wait3A_82 : memref<128xf32, #tpu.memory_space<hbm>>)
      tpu.yield
    }) : () -> ()
    %add3A_31 = arith.constant 128 : i32
    %add3A_32 = arith.addi %mul3A_7, %add3A_31 : i32
    %dma_wait3A_33 = arith.constant 0 : i32
    %dma_wait3A_34 = tpu.memref_slice %arg2[%dma_wait3A_33, %add3A_21] : memref<200x16384xi32, #tpu.memory_space<hbm>> -> memref<200x128xi32, #tpu.memory_space<hbm>>
    %dma_wait3A_35 = arith.constant 0 : i32
    %dma_wait3A_36 = tpu.memref_slice %arg2[%dma_wait3A_35, %add3A_21] : memref<200x16384xi32, #tpu.memory_space<hbm>> -> memref<200x128xi32, #tpu.memory_space<hbm>>
    tpu.wait_dma2 semaphore(%arg13 : memref<!tpu.dma_semaphore, #tpu.memory_space<semaphore_mem>>) src(%dma_wait3A_36 : memref<200x128xi32, #tpu.memory_space<hbm>>) dst(%arg8 : memref<200x128xi32, #tpu.memory_space<vmem>>)
    %add3A_37 = arith.constant 256 : i32
    %add3A_38 = arith.addi %mul3A_7, %add3A_37 : i32
    %dma_start3A_39 = arith.constant 0 : i32
    %dma_start3A_40 = tpu.memref_slice %arg2[%dma_start3A_39, %add3A_38] : memref<200x16384xi32, #tpu.memory_space<hbm>> -> memref<200x128xi32, #tpu.memory_space<hbm>>
    %dma_start3A_41 = arith.constant 0 : i32
    %dma_start3A_42 = tpu.memref_slice %arg2[%dma_start3A_41, %add3A_38] : memref<200x16384xi32, #tpu.memory_space<hbm>> -> memref<200x128xi32, #tpu.memory_space<hbm>>
    tpu.enqueue_dma source(%dma_start3A_42 : memref<200x128xi32, #tpu.memory_space<hbm>>) target(%arg7 : memref<200x128xi32, #tpu.memory_space<vmem>>) target_semaphore(%arg12 : memref<!tpu.dma_semaphore, #tpu.memory_space<semaphore_mem>>)
    %scan3A_43 = arith.constant 0 : i32
    %scan3A_44 = arith.constant 0 : i32
    %scan3A_45 = arith.constant 8 : i32
    %scan3A_46 = arith.addi %scan3A_44, %scan3A_45 : i32
    %scan3A_47 = arith.constant 1 : i32
    scf.for %scan3A_79 = %scan3A_44 to %scan3A_46 step %scan3A_47  : i32 {
      %mul3A_80 = arith.constant 16 : i32
      %mul3A_81 = arith.muli %scan3A_79, %mul3A_80 : i32
      %add3A_82 = vector.broadcast %mul3A_81 : i32 to vector<16xi32>
      %add3A_83 = arith.addi %iota3A, %add3A_82 : vector<16xi32>
      %scan3A_84 = arith.constant 0 : i32
      %scan3A_85 = arith.constant 50 : i32
      %scan3A_86 = arith.addi %scan3A_84, %scan3A_85 : i32
      %scan3A_87 = arith.constant 5 : i32
      %scan3A_88:5 = scf.for %scan3A_110 = %scan3A_84 to %scan3A_86 step %scan3A_87 iter_args(%scan3A_111 = %broadcast_in_dim3A_5, %scan3A_112 = %broadcast_in_dim3A_5, %scan3A_113 = %broadcast_in_dim3A_5, %scan3A_114 = %broadcast_in_dim3A_5, %scan3A_115 = %broadcast_in_dim3A_1) -> (vector<16xf32>, vector<16xf32>, vector<16xf32>, vector<16xf32>, vector<16xi32>)  : i32 {
        %gather3A = tpu.vector_load_idx %arg8[%scan3A_115, %add3A_83] : memref<200x128xi32, #tpu.memory_space<vmem>>[vector<16xi32>, vector<16xi32>], vector<16xi32>,
        %gather3A_116 = tpu.vector_load_idx %arg6[%gather3A] : memref<30000xf32, #tpu.memory_space<vmem>>[vector<16xi32>], vector<16xf32>,
        %add3A_117 = arith.constant 1 : i32
        %add3A_118 = vector.broadcast %add3A_117 : i32 to vector<16xi32>
        %add3A_119 = arith.addi %scan3A_115, %add3A_118 : vector<16xi32>
        %gather3A_120 = tpu.vector_load_idx %arg8[%add3A_119, %add3A_83] : memref<200x128xi32, #tpu.memory_space<vmem>>[vector<16xi32>, vector<16xi32>], vector<16xi32>,
        %gather3A_121 = tpu.vector_load_idx %arg6[%gather3A_120] : memref<30000xf32, #tpu.memory_space<vmem>>[vector<16xi32>], vector<16xf32>,
        %add3A_122 = arith.constant 2 : i32
        %add3A_123 = vector.broadcast %add3A_122 : i32 to vector<16xi32>
        %add3A_124 = arith.addi %scan3A_115, %add3A_123 : vector<16xi32>
        %gather3A_125 = tpu.vector_load_idx %arg8[%add3A_124, %add3A_83] : memref<200x128xi32, #tpu.memory_space<vmem>>[vector<16xi32>, vector<16xi32>], vector<16xi32>,
        %gather3A_126 = tpu.vector_load_idx %arg6[%gather3A_125] : memref<30000xf32, #tpu.memory_space<vmem>>[vector<16xi32>], vector<16xf32>,
        %add3A_127 = arith.constant 3 : i32
        %add3A_128 = vector.broadcast %add3A_127 : i32 to vector<16xi32>
        %add3A_129 = arith.addi %scan3A_115, %add3A_128 : vector<16xi32>
        %gather3A_130 = tpu.vector_load_idx %arg8[%add3A_129, %add3A_83] : memref<200x128xi32, #tpu.memory_space<vmem>>[vector<16xi32>, vector<16xi32>], vector<16xi32>,
        %gather3A_131 = tpu.vector_load_idx %arg6[%gather3A_130] : memref<30000xf32, #tpu.memory_space<vmem>>[vector<16xi32>], vector<16xf32>,
        %add3A_132 = arith.addf %scan3A_111, %gather3A_116 : vector<16xf32>
        %add3A_133 = arith.addf %scan3A_112, %gather3A_121 : vector<16xf32>
        %add3A_134 = arith.addf %scan3A_113, %gather3A_126 : vector<16xf32>
        %add3A_135 = arith.addf %scan3A_114, %gather3A_131 : vector<16xf32>
        %add3A_136 = arith.constant 4 : i32
        %add3A_137 = vector.broadcast %add3A_136 : i32 to vector<16xi32>
        %add3A_138 = arith.addi %scan3A_115, %add3A_137 : vector<16xi32>
        %scan3A_139 = arith.constant 1 : i32
        %scan3A_140 = arith.addi %scan3A_110, %scan3A_139 : i32
        %gather3A_141 = tpu.vector_load_idx %arg8[%add3A_138, %add3A_83] : memref<200x128xi32, #tpu.memory_space<vmem>>[vector<16xi32>, vector<16xi32>], vector<16xi32>,
        %gather3A_142 = tpu.vector_load_idx %arg6[%gather3A_141] : memref<30000xf32, #tpu.memory_space<vmem>>[vector<16xi32>], vector<16xf32>,
        %add3A_143 = arith.constant 1 : i32
        %add3A_144 = vector.broadcast %add3A_143 : i32 to vector<16xi32>
        %add3A_145 = arith.addi %add3A_138, %add3A_144 : vector<16xi32>
        %gather3A_146 = tpu.vector_load_idx %arg8[%add3A_145, %add3A_83] : memref<200x128xi32, #tpu.memory_space<vmem>>[vector<16xi32>, vector<16xi32>], vector<16xi32>,
        %gather3A_147 = tpu.vector_load_idx %arg6[%gather3A_146] : memref<30000xf32, #tpu.memory_space<vmem>>[vector<16xi32>], vector<16xf32>,
        %add3A_148 = arith.constant 2 : i32
        %add3A_149 = vector.broadcast %add3A_148 : i32 to vector<16xi32>
        %add3A_150 = arith.addi %add3A_138, %add3A_149 : vector<16xi32>
        %gather3A_151 = tpu.vector_load_idx %arg8[%add3A_150, %add3A_83] : memref<200x128xi32, #tpu.memory_space<vmem>>[vector<16xi32>, vector<16xi32>], vector<16xi32>,
        %gather3A_152 = tpu.vector_load_idx %arg6[%gather3A_151] : memref<30000xf32, #tpu.memory_space<vmem>>[vector<16xi32>], vector<16xf32>,
        %add3A_153 = arith.constant 3 : i32
        %add3A_154 = vector.broadcast %add3A_153 : i32 to vector<16xi32>
        %add3A_155 = arith.addi %add3A_138, %add3A_154 : vector<16xi32>
        %gather3A_156 = tpu.vector_load_idx %arg8[%add3A_155, %add3A_83] : memref<200x128xi32, #tpu.memory_space<vmem>>[vector<16xi32>, vector<16xi32>], vector<16xi32>,
        %gather3A_157 = tpu.vector_load_idx %arg6[%gather3A_156] : memref<30000xf32, #tpu.memory_space<vmem>>[vector<16xi32>], vector<16xf32>,
        %add3A_158 = arith.addf %add3A_132, %gather3A_142 : vector<16xf32>
        %add3A_159 = arith.addf %add3A_133, %gather3A_147 : vector<16xf32>
        %add3A_160 = arith.addf %add3A_134, %gather3A_152 : vector<16xf32>
        %add3A_161 = arith.addf %add3A_135, %gather3A_157 : vector<16xf32>
        %add3A_162 = arith.constant 4 : i32
        %add3A_163 = vector.broadcast %add3A_162 : i32 to vector<16xi32>
        %add3A_164 = arith.addi %add3A_138, %add3A_163 : vector<16xi32>
        %scan3A_165 = arith.constant 2 : i32
        %scan3A_166 = arith.addi %scan3A_110, %scan3A_165 : i32
        %gather3A_167 = tpu.vector_load_idx %arg8[%add3A_164, %add3A_83] : memref<200x128xi32, #tpu.memory_space<vmem>>[vector<16xi32>, vector<16xi32>], vector<16xi32>,
        %gather3A_168 = tpu.vector_load_idx %arg6[%gather3A_167] : memref<30000xf32, #tpu.memory_space<vmem>>[vector<16xi32>], vector<16xf32>,
        %add3A_169 = arith.constant 1 : i32
        %add3A_170 = vector.broadcast %add3A_169 : i32 to vector<16xi32>
        %add3A_171 = arith.addi %add3A_164, %add3A_170 : vector<16xi32>
        %gather3A_172 = tpu.vector_load_idx %arg8[%add3A_171, %add3A_83] : memref<200x128xi32, #tpu.memory_space<vmem>>[vector<16xi32>, vector<16xi32>], vector<16xi32>,
        %gather3A_173 = tpu.vector_load_idx %arg6[%gather3A_172] : memref<30000xf32, #tpu.memory_space<vmem>>[vector<16xi32>], vector<16xf32>,
        %add3A_174 = arith.constant 2 : i32
        %add3A_175 = vector.broadcast %add3A_174 : i32 to vector<16xi32>
        %add3A_176 = arith.addi %add3A_164, %add3A_175 : vector<16xi32>
        %gather3A_177 = tpu.vector_load_idx %arg8[%add3A_176, %add3A_83] : memref<200x128xi32, #tpu.memory_space<vmem>>[vector<16xi32>, vector<16xi32>], vector<16xi32>,
        %gather3A_178 = tpu.vector_load_idx %arg6[%gather3A_177] : memref<30000xf32, #tpu.memory_space<vmem>>[vector<16xi32>], vector<16xf32>,
        %add3A_179 = arith.constant 3 : i32
        %add3A_180 = vector.broadcast %add3A_179 : i32 to vector<16xi32>
        %add3A_181 = arith.addi %add3A_164, %add3A_180 : vector<16xi32>
        %gather3A_182 = tpu.vector_load_idx %arg8[%add3A_181, %add3A_83] : memref<200x128xi32, #tpu.memory_space<vmem>>[vector<16xi32>, vector<16xi32>], vector<16xi32>,
        %gather3A_183 = tpu.vector_load_idx %arg6[%gather3A_182] : memref<30000xf32, #tpu.memory_space<vmem>>[vector<16xi32>], vector<16xf32>,
        %add3A_184 = arith.addf %add3A_158, %gather3A_168 : vector<16xf32>
        %add3A_185 = arith.addf %add3A_159, %gather3A_173 : vector<16xf32>
        %add3A_186 = arith.addf %add3A_160, %gather3A_178 : vector<16xf32>
        %add3A_187 = arith.addf %add3A_161, %gather3A_183 : vector<16xf32>
        %add3A_188 = arith.constant 4 : i32
        %add3A_189 = vector.broadcast %add3A_188 : i32 to vector<16xi32>
        %add3A_190 = arith.addi %add3A_164, %add3A_189 : vector<16xi32>
        %scan3A_191 = arith.constant 3 : i32
        %scan3A_192 = arith.addi %scan3A_110, %scan3A_191 : i32
        %gather3A_193 = tpu.vector_load_idx %arg8[%add3A_190, %add3A_83] : memref<200x128xi32, #tpu.memory_space<vmem>>[vector<16xi32>, vector<16xi32>], vector<16xi32>,
        %gather3A_194 = tpu.vector_load_idx %arg6[%gather3A_193] : memref<30000xf32, #tpu.memory_space<vmem>>[vector<16xi32>], vector<16xf32>,
        %add3A_195 = arith.constant 1 : i32
        %add3A_196 = vector.broadcast %add3A_195 : i32 to vector<16xi32>
        %add3A_197 = arith.addi %add3A_190, %add3A_196 : vector<16xi32>
        %gather3A_198 = tpu.vector_load_idx %arg8[%add3A_197, %add3A_83] : memref<200x128xi32, #tpu.memory_space<vmem>>[vector<16xi32>, vector<16xi32>], vector<16xi32>,
        %gather3A_199 = tpu.vector_load_idx %arg6[%gather3A_198] : memref<30000xf32, #tpu.memory_space<vmem>>[vector<16xi32>], vector<16xf32>,
        %add3A_200 = arith.constant 2 : i32
        %add3A_201 = vector.broadcast %add3A_200 : i32 to vector<16xi32>
        %add3A_202 = arith.addi %add3A_190, %add3A_201 : vector<16xi32>
        %gather3A_203 = tpu.vector_load_idx %arg8[%add3A_202, %add3A_83] : memref<200x128xi32, #tpu.memory_space<vmem>>[vector<16xi32>, vector<16xi32>], vector<16xi32>,
        %gather3A_204 = tpu.vector_load_idx %arg6[%gather3A_203] : memref<30000xf32, #tpu.memory_space<vmem>>[vector<16xi32>], vector<16xf32>,
        %add3A_205 = arith.constant 3 : i32
        %add3A_206 = vector.broadcast %add3A_205 : i32 to vector<16xi32>
        %add3A_207 = arith.addi %add3A_190, %add3A_206 : vector<16xi32>
        %gather3A_208 = tpu.vector_load_idx %arg8[%add3A_207, %add3A_83] : memref<200x128xi32, #tpu.memory_space<vmem>>[vector<16xi32>, vector<16xi32>], vector<16xi32>,
        %gather3A_209 = tpu.vector_load_idx %arg6[%gather3A_208] : memref<30000xf32, #tpu.memory_space<vmem>>[vector<16xi32>], vector<16xf32>,
        %add3A_210 = arith.addf %add3A_184, %gather3A_194 : vector<16xf32>
        %add3A_211 = arith.addf %add3A_185, %gather3A_199 : vector<16xf32>
        %add3A_212 = arith.addf %add3A_186, %gather3A_204 : vector<16xf32>
        %add3A_213 = arith.addf %add3A_187, %gather3A_209 : vector<16xf32>
        %add3A_214 = arith.constant 4 : i32
        %add3A_215 = vector.broadcast %add3A_214 : i32 to vector<16xi32>
        %add3A_216 = arith.addi %add3A_190, %add3A_215 : vector<16xi32>
        %scan3A_217 = arith.constant 4 : i32
        %scan3A_218 = arith.addi %scan3A_110, %scan3A_217 : i32
        %gather3A_219 = tpu.vector_load_idx %arg8[%add3A_216, %add3A_83] : memref<200x128xi32, #tpu.memory_space<vmem>>[vector<16xi32>, vector<16xi32>], vector<16xi32>,
        %gather3A_220 = tpu.vector_load_idx %arg6[%gather3A_219] : memref<30000xf32, #tpu.memory_space<vmem>>[vector<16xi32>], vector<16xf32>,
        %add3A_221 = arith.constant 1 : i32
        %add3A_222 = vector.broadcast %add3A_221 : i32 to vector<16xi32>
        %add3A_223 = arith.addi %add3A_216, %add3A_222 : vector<16xi32>
        %gather3A_224 = tpu.vector_load_idx %arg8[%add3A_223, %add3A_83] : memref<200x128xi32, #tpu.memory_space<vmem>>[vector<16xi32>, vector<16xi32>], vector<16xi32>,
        %gather3A_225 = tpu.vector_load_idx %arg6[%gather3A_224] : memref<30000xf32, #tpu.memory_space<vmem>>[vector<16xi32>], vector<16xf32>,
        %add3A_226 = arith.constant 2 : i32
        %add3A_227 = vector.broadcast %add3A_226 : i32 to vector<16xi32>
        %add3A_228 = arith.addi %add3A_216, %add3A_227 : vector<16xi32>
        %gather3A_229 = tpu.vector_load_idx %arg8[%add3A_228, %add3A_83] : memref<200x128xi32, #tpu.memory_space<vmem>>[vector<16xi32>, vector<16xi32>], vector<16xi32>,
        %gather3A_230 = tpu.vector_load_idx %arg6[%gather3A_229] : memref<30000xf32, #tpu.memory_space<vmem>>[vector<16xi32>], vector<16xf32>,
        %add3A_231 = arith.constant 3 : i32
        %add3A_232 = vector.broadcast %add3A_231 : i32 to vector<16xi32>
        %add3A_233 = arith.addi %add3A_216, %add3A_232 : vector<16xi32>
        %gather3A_234 = tpu.vector_load_idx %arg8[%add3A_233, %add3A_83] : memref<200x128xi32, #tpu.memory_space<vmem>>[vector<16xi32>, vector<16xi32>], vector<16xi32>,
        %gather3A_235 = tpu.vector_load_idx %arg6[%gather3A_234] : memref<30000xf32, #tpu.memory_space<vmem>>[vector<16xi32>], vector<16xf32>,
        %add3A_236 = arith.addf %add3A_210, %gather3A_220 : vector<16xf32>
        %add3A_237 = arith.addf %add3A_211, %gather3A_225 : vector<16xf32>
        %add3A_238 = arith.addf %add3A_212, %gather3A_230 : vector<16xf32>
        %add3A_239 = arith.addf %add3A_213, %gather3A_235 : vector<16xf32>
        %add3A_240 = arith.constant 4 : i32
        %add3A_241 = vector.broadcast %add3A_240 : i32 to vector<16xi32>
        %add3A_242 = arith.addi %add3A_216, %add3A_241 : vector<16xi32>
        scf.yield %add3A_236, %add3A_237, %add3A_238, %add3A_239, %add3A_242 : vector<16xf32>, vector<16xf32>, vector<16xf32>, vector<16xf32>, vector<16xi32>
      }
      %scan3A_89 = arith.constant 50 : i32
      %add3A_90 = arith.addf %scan3A_88#0, %scan3A_88#1 : vector<16xf32>
      %add3A_91 = arith.addf %scan3A_88#2, %scan3A_88#3 : vector<16xf32>
      %add3A_92 = arith.addf %add3A_90, %add3A_91 : vector<16xf32>
      %mul3A_93 = arith.constant 5.000000e-03 : f32
      %mul3A_94 = vector.broadcast %mul3A_93 : f32 to vector<16xf32>
      %mul3A_95 = arith.mulf %add3A_92, %mul3A_94 : vector<16xf32>
      %exp3A = math.exp %mul3A_95 : vector<16xf32>
      %add3A_96 = arith.constant 1.000000e+00 : f32
      %add3A_97 = vector.broadcast %add3A_96 : f32 to vector<16xf32>
      %add3A_98 = arith.addf %add3A_97, %exp3A : vector<16xf32>
      %div3A = arith.constant 1.000000e+00 : f32
      %div3A_99 = vector.broadcast %div3A : f32 to vector<16xf32>
      %div3A_100 = arith.divf %div3A_99, %add3A_98 : vector<16xf32>
      %sub3A = arith.constant 1.000000e+00 : f32
      %sub3A_101 = vector.broadcast %sub3A : f32 to vector<16xf32>
      %sub3A_102 = arith.subf %sub3A_101, %div3A_100 : vector<16xf32>
      %mul3A_103 = arith.constant 16 : i32
      %mul3A_104 = arith.muli %scan3A_79, %mul3A_103 : i32
      %swap3A = arith.index_cast %mul3A_104 : i32 to index
      %swap3A_105 = tpu.vector_load %arg9[%swap3A] {strides = array<i32>} : memref<128xf32, #tpu.memory_space<vmem>>, vector<16xf32>,
      tpu.vector_store %arg9[%swap3A], %div3A_100 {strides = array<i32>} : memref<128xf32, #tpu.memory_space<vmem>>, vector<16xf32>,
      %mul3A_106 = arith.constant 16 : i32
      %mul3A_107 = arith.muli %scan3A_79, %mul3A_106 : i32
      %swap3A_108 = arith.index_cast %mul3A_107 : i32 to index
      %swap3A_109 = tpu.vector_load %arg10[%swap3A_108] {strides = array<i32>} : memref<128xf32, #tpu.memory_space<vmem>>, vector<16xf32>,
      tpu.vector_store %arg10[%swap3A_108], %sub3A_102 {strides = array<i32>} : memref<128xf32, #tpu.memory_space<vmem>>, vector<16xf32>,
    }
    %scan3A_48 = arith.constant 8 : i32
    "tpu.region"() ({
      %run_scoped3A = tpu.sem_alloc : memref<!tpu.dma_semaphore, #tpu.memory_space<semaphore_mem>>
      %dma_start3A_79 = tpu.memref_slice %arg4[%add3A_32] : memref<16384xf32, #tpu.memory_space<hbm>> -> memref<128xf32, #tpu.memory_space<hbm>>
      %dma_start3A_80 = tpu.memref_slice %arg4[%add3A_32] : memref<16384xf32, #tpu.memory_space<hbm>> -> memref<128xf32, #tpu.memory_space<hbm>>
      tpu.enqueue_dma source(%arg9 : memref<128xf32, #tpu.memory_space<vmem>>) target(%dma_start3A_80 : memref<128xf32, #tpu.memory_space<hbm>>) target_semaphore(%run_scoped3A : memref<!tpu.dma_semaphore, #tpu.memory_space<semaphore_mem>>)
      %dma_wait3A_81 = tpu.memref_slice %arg4[%add3A_32] : memref<16384xf32, #tpu.memory_space<hbm>> -> memref<128xf32, #tpu.memory_space<hbm>>
      %dma_wait3A_82 = tpu.memref_slice %arg4[%add3A_32] : memref<16384xf32, #tpu.memory_space<hbm>> -> memref<128xf32, #tpu.memory_space<hbm>>
      tpu.wait_dma2 semaphore(%run_scoped3A : memref<!tpu.dma_semaphore, #tpu.memory_space<semaphore_mem>>) src(%arg9 : memref<128xf32, #tpu.memory_space<vmem>>) dst(%dma_wait3A_82 : memref<128xf32, #tpu.memory_space<hbm>>)
      tpu.yield
    }) : () -> ()
    "tpu.region"() ({
      %run_scoped3A = tpu.sem_alloc : memref<!tpu.dma_semaphore, #tpu.memory_space<semaphore_mem>>
      %dma_start3A_79 = tpu.memref_slice %arg5[%add3A_32] : memref<16384xf32, #tpu.memory_space<hbm>> -> memref<128xf32, #tpu.memory_space<hbm>>
      %dma_start3A_80 = tpu.memref_slice %arg5[%add3A_32] : memref<16384xf32, #tpu.memory_space<hbm>> -> memref<128xf32, #tpu.memory_space<hbm>>
      tpu.enqueue_dma source(%arg10 : memref<128xf32, #tpu.memory_space<vmem>>) target(%dma_start3A_80 : memref<128xf32, #tpu.memory_space<hbm>>) target_semaphore(%run_scoped3A : memref<!tpu.dma_semaphore, #tpu.memory_space<semaphore_mem>>)
      %dma_wait3A_81 = tpu.memref_slice %arg5[%add3A_32] : memref<16384xf32, #tpu.memory_space<hbm>> -> memref<128xf32, #tpu.memory_space<hbm>>
      %dma_wait3A_82 = tpu.memref_slice %arg5[%add3A_32] : memref<16384xf32, #tpu.memory_space<hbm>> -> memref<128xf32, #tpu.memory_space<hbm>>
      tpu.wait_dma2 semaphore(%run_scoped3A : memref<!tpu.dma_semaphore, #tpu.memory_space<semaphore_mem>>) src(%arg10 : memref<128xf32, #tpu.memory_space<vmem>>) dst(%dma_wait3A_82 : memref<128xf32, #tpu.memory_space<hbm>>)
      tpu.yield
    }) : () -> ()
    %add3A_49 = arith.constant 256 : i32
    %add3A_50 = arith.addi %mul3A_7, %add3A_49 : i32
    %dma_wait3A_51 = arith.constant 0 : i32
    %dma_wait3A_52 = tpu.memref_slice %arg2[%dma_wait3A_51, %add3A_38] : memref<200x16384xi32, #tpu.memory_space<hbm>> -> memref<200x128xi32, #tpu.memory_space<hbm>>
    %dma_wait3A_53 = arith.constant 0 : i32
    %dma_wait3A_54 = tpu.memref_slice %arg2[%dma_wait3A_53, %add3A_38] : memref<200x16384xi32, #tpu.memory_space<hbm>> -> memref<200x128xi32, #tpu.memory_space<hbm>>
    tpu.wait_dma2 semaphore(%arg12 : memref<!tpu.dma_semaphore, #tpu.memory_space<semaphore_mem>>) src(%dma_wait3A_54 : memref<200x128xi32, #tpu.memory_space<hbm>>) dst(%arg7 : memref<200x128xi32, #tpu.memory_space<vmem>>)
    %add3A_55 = arith.constant 384 : i32
    %add3A_56 = arith.addi %mul3A_7, %add3A_55 : i32
    %dma_start3A_57 = arith.constant 0 : i32
    %dma_start3A_58 = tpu.memref_slice %arg2[%dma_start3A_57, %add3A_56] : memref<200x16384xi32, #tpu.memory_space<hbm>> -> memref<200x128xi32, #tpu.memory_space<hbm>>
    %dma_start3A_59 = arith.constant 0 : i32
    %dma_start3A_60 = tpu.memref_slice %arg2[%dma_start3A_59, %add3A_56] : memref<200x16384xi32, #tpu.memory_space<hbm>> -> memref<200x128xi32, #tpu.memory_space<hbm>>
    tpu.enqueue_dma source(%dma_start3A_60 : memref<200x128xi32, #tpu.memory_space<hbm>>) target(%arg8 : memref<200x128xi32, #tpu.memory_space<vmem>>) target_semaphore(%arg13 : memref<!tpu.dma_semaphore, #tpu.memory_space<semaphore_mem>>)
    %scan3A_61 = arith.constant 0 : i32
    %scan3A_62 = arith.constant 0 : i32
    %scan3A_63 = arith.constant 8 : i32
    %scan3A_64 = arith.addi %scan3A_62, %scan3A_63 : i32
    %scan3A_65 = arith.constant 1 : i32
    scf.for %scan3A_79 = %scan3A_62 to %scan3A_64 step %scan3A_65  : i32 {
      %mul3A_80 = arith.constant 16 : i32
      %mul3A_81 = arith.muli %scan3A_79, %mul3A_80 : i32
      %add3A_82 = vector.broadcast %mul3A_81 : i32 to vector<16xi32>
      %add3A_83 = arith.addi %iota3A, %add3A_82 : vector<16xi32>
      %scan3A_84 = arith.constant 0 : i32
      %scan3A_85 = arith.constant 50 : i32
      %scan3A_86 = arith.addi %scan3A_84, %scan3A_85 : i32
      %scan3A_87 = arith.constant 5 : i32
      %scan3A_88:5 = scf.for %scan3A_110 = %scan3A_84 to %scan3A_86 step %scan3A_87 iter_args(%scan3A_111 = %broadcast_in_dim3A_5, %scan3A_112 = %broadcast_in_dim3A_5, %scan3A_113 = %broadcast_in_dim3A_5, %scan3A_114 = %broadcast_in_dim3A_5, %scan3A_115 = %broadcast_in_dim3A_1) -> (vector<16xf32>, vector<16xf32>, vector<16xf32>, vector<16xf32>, vector<16xi32>)  : i32 {
        %gather3A = tpu.vector_load_idx %arg7[%scan3A_115, %add3A_83] : memref<200x128xi32, #tpu.memory_space<vmem>>[vector<16xi32>, vector<16xi32>], vector<16xi32>,
        %gather3A_116 = tpu.vector_load_idx %arg6[%gather3A] : memref<30000xf32, #tpu.memory_space<vmem>>[vector<16xi32>], vector<16xf32>,
        %add3A_117 = arith.constant 1 : i32
        %add3A_118 = vector.broadcast %add3A_117 : i32 to vector<16xi32>
        %add3A_119 = arith.addi %scan3A_115, %add3A_118 : vector<16xi32>
        %gather3A_120 = tpu.vector_load_idx %arg7[%add3A_119, %add3A_83] : memref<200x128xi32, #tpu.memory_space<vmem>>[vector<16xi32>, vector<16xi32>], vector<16xi32>,
        %gather3A_121 = tpu.vector_load_idx %arg6[%gather3A_120] : memref<30000xf32, #tpu.memory_space<vmem>>[vector<16xi32>], vector<16xf32>,
        %add3A_122 = arith.constant 2 : i32
        %add3A_123 = vector.broadcast %add3A_122 : i32 to vector<16xi32>
        %add3A_124 = arith.addi %scan3A_115, %add3A_123 : vector<16xi32>
        %gather3A_125 = tpu.vector_load_idx %arg7[%add3A_124, %add3A_83] : memref<200x128xi32, #tpu.memory_space<vmem>>[vector<16xi32>, vector<16xi32>], vector<16xi32>,
        %gather3A_126 = tpu.vector_load_idx %arg6[%gather3A_125] : memref<30000xf32, #tpu.memory_space<vmem>>[vector<16xi32>], vector<16xf32>,
        %add3A_127 = arith.constant 3 : i32
        %add3A_128 = vector.broadcast %add3A_127 : i32 to vector<16xi32>
        %add3A_129 = arith.addi %scan3A_115, %add3A_128 : vector<16xi32>
        %gather3A_130 = tpu.vector_load_idx %arg7[%add3A_129, %add3A_83] : memref<200x128xi32, #tpu.memory_space<vmem>>[vector<16xi32>, vector<16xi32>], vector<16xi32>,
        %gather3A_131 = tpu.vector_load_idx %arg6[%gather3A_130] : memref<30000xf32, #tpu.memory_space<vmem>>[vector<16xi32>], vector<16xf32>,
        %add3A_132 = arith.addf %scan3A_111, %gather3A_116 : vector<16xf32>
        %add3A_133 = arith.addf %scan3A_112, %gather3A_121 : vector<16xf32>
        %add3A_134 = arith.addf %scan3A_113, %gather3A_126 : vector<16xf32>
        %add3A_135 = arith.addf %scan3A_114, %gather3A_131 : vector<16xf32>
        %add3A_136 = arith.constant 4 : i32
        %add3A_137 = vector.broadcast %add3A_136 : i32 to vector<16xi32>
        %add3A_138 = arith.addi %scan3A_115, %add3A_137 : vector<16xi32>
        %scan3A_139 = arith.constant 1 : i32
        %scan3A_140 = arith.addi %scan3A_110, %scan3A_139 : i32
        %gather3A_141 = tpu.vector_load_idx %arg7[%add3A_138, %add3A_83] : memref<200x128xi32, #tpu.memory_space<vmem>>[vector<16xi32>, vector<16xi32>], vector<16xi32>,
        %gather3A_142 = tpu.vector_load_idx %arg6[%gather3A_141] : memref<30000xf32, #tpu.memory_space<vmem>>[vector<16xi32>], vector<16xf32>,
        %add3A_143 = arith.constant 1 : i32
        %add3A_144 = vector.broadcast %add3A_143 : i32 to vector<16xi32>
        %add3A_145 = arith.addi %add3A_138, %add3A_144 : vector<16xi32>
        %gather3A_146 = tpu.vector_load_idx %arg7[%add3A_145, %add3A_83] : memref<200x128xi32, #tpu.memory_space<vmem>>[vector<16xi32>, vector<16xi32>], vector<16xi32>,
        %gather3A_147 = tpu.vector_load_idx %arg6[%gather3A_146] : memref<30000xf32, #tpu.memory_space<vmem>>[vector<16xi32>], vector<16xf32>,
        %add3A_148 = arith.constant 2 : i32
        %add3A_149 = vector.broadcast %add3A_148 : i32 to vector<16xi32>
        %add3A_150 = arith.addi %add3A_138, %add3A_149 : vector<16xi32>
        %gather3A_151 = tpu.vector_load_idx %arg7[%add3A_150, %add3A_83] : memref<200x128xi32, #tpu.memory_space<vmem>>[vector<16xi32>, vector<16xi32>], vector<16xi32>,
        %gather3A_152 = tpu.vector_load_idx %arg6[%gather3A_151] : memref<30000xf32, #tpu.memory_space<vmem>>[vector<16xi32>], vector<16xf32>,
        %add3A_153 = arith.constant 3 : i32
        %add3A_154 = vector.broadcast %add3A_153 : i32 to vector<16xi32>
        %add3A_155 = arith.addi %add3A_138, %add3A_154 : vector<16xi32>
        %gather3A_156 = tpu.vector_load_idx %arg7[%add3A_155, %add3A_83] : memref<200x128xi32, #tpu.memory_space<vmem>>[vector<16xi32>, vector<16xi32>], vector<16xi32>,
        %gather3A_157 = tpu.vector_load_idx %arg6[%gather3A_156] : memref<30000xf32, #tpu.memory_space<vmem>>[vector<16xi32>], vector<16xf32>,
        %add3A_158 = arith.addf %add3A_132, %gather3A_142 : vector<16xf32>
        %add3A_159 = arith.addf %add3A_133, %gather3A_147 : vector<16xf32>
        %add3A_160 = arith.addf %add3A_134, %gather3A_152 : vector<16xf32>
        %add3A_161 = arith.addf %add3A_135, %gather3A_157 : vector<16xf32>
        %add3A_162 = arith.constant 4 : i32
        %add3A_163 = vector.broadcast %add3A_162 : i32 to vector<16xi32>
        %add3A_164 = arith.addi %add3A_138, %add3A_163 : vector<16xi32>
        %scan3A_165 = arith.constant 2 : i32
        %scan3A_166 = arith.addi %scan3A_110, %scan3A_165 : i32
        %gather3A_167 = tpu.vector_load_idx %arg7[%add3A_164, %add3A_83] : memref<200x128xi32, #tpu.memory_space<vmem>>[vector<16xi32>, vector<16xi32>], vector<16xi32>,
        %gather3A_168 = tpu.vector_load_idx %arg6[%gather3A_167] : memref<30000xf32, #tpu.memory_space<vmem>>[vector<16xi32>], vector<16xf32>,
        %add3A_169 = arith.constant 1 : i32
        %add3A_170 = vector.broadcast %add3A_169 : i32 to vector<16xi32>
        %add3A_171 = arith.addi %add3A_164, %add3A_170 : vector<16xi32>
        %gather3A_172 = tpu.vector_load_idx %arg7[%add3A_171, %add3A_83] : memref<200x128xi32, #tpu.memory_space<vmem>>[vector<16xi32>, vector<16xi32>], vector<16xi32>,
        %gather3A_173 = tpu.vector_load_idx %arg6[%gather3A_172] : memref<30000xf32, #tpu.memory_space<vmem>>[vector<16xi32>], vector<16xf32>,
        %add3A_174 = arith.constant 2 : i32
        %add3A_175 = vector.broadcast %add3A_174 : i32 to vector<16xi32>
        %add3A_176 = arith.addi %add3A_164, %add3A_175 : vector<16xi32>
        %gather3A_177 = tpu.vector_load_idx %arg7[%add3A_176, %add3A_83] : memref<200x128xi32, #tpu.memory_space<vmem>>[vector<16xi32>, vector<16xi32>], vector<16xi32>,
        %gather3A_178 = tpu.vector_load_idx %arg6[%gather3A_177] : memref<30000xf32, #tpu.memory_space<vmem>>[vector<16xi32>], vector<16xf32>,
        %add3A_179 = arith.constant 3 : i32
        %add3A_180 = vector.broadcast %add3A_179 : i32 to vector<16xi32>
        %add3A_181 = arith.addi %add3A_164, %add3A_180 : vector<16xi32>
        %gather3A_182 = tpu.vector_load_idx %arg7[%add3A_181, %add3A_83] : memref<200x128xi32, #tpu.memory_space<vmem>>[vector<16xi32>, vector<16xi32>], vector<16xi32>,
        %gather3A_183 = tpu.vector_load_idx %arg6[%gather3A_182] : memref<30000xf32, #tpu.memory_space<vmem>>[vector<16xi32>], vector<16xf32>,
        %add3A_184 = arith.addf %add3A_158, %gather3A_168 : vector<16xf32>
        %add3A_185 = arith.addf %add3A_159, %gather3A_173 : vector<16xf32>
        %add3A_186 = arith.addf %add3A_160, %gather3A_178 : vector<16xf32>
        %add3A_187 = arith.addf %add3A_161, %gather3A_183 : vector<16xf32>
        %add3A_188 = arith.constant 4 : i32
        %add3A_189 = vector.broadcast %add3A_188 : i32 to vector<16xi32>
        %add3A_190 = arith.addi %add3A_164, %add3A_189 : vector<16xi32>
        %scan3A_191 = arith.constant 3 : i32
        %scan3A_192 = arith.addi %scan3A_110, %scan3A_191 : i32
        %gather3A_193 = tpu.vector_load_idx %arg7[%add3A_190, %add3A_83] : memref<200x128xi32, #tpu.memory_space<vmem>>[vector<16xi32>, vector<16xi32>], vector<16xi32>,
        %gather3A_194 = tpu.vector_load_idx %arg6[%gather3A_193] : memref<30000xf32, #tpu.memory_space<vmem>>[vector<16xi32>], vector<16xf32>,
        %add3A_195 = arith.constant 1 : i32
        %add3A_196 = vector.broadcast %add3A_195 : i32 to vector<16xi32>
        %add3A_197 = arith.addi %add3A_190, %add3A_196 : vector<16xi32>
        %gather3A_198 = tpu.vector_load_idx %arg7[%add3A_197, %add3A_83] : memref<200x128xi32, #tpu.memory_space<vmem>>[vector<16xi32>, vector<16xi32>], vector<16xi32>,
        %gather3A_199 = tpu.vector_load_idx %arg6[%gather3A_198] : memref<30000xf32, #tpu.memory_space<vmem>>[vector<16xi32>], vector<16xf32>,
        %add3A_200 = arith.constant 2 : i32
        %add3A_201 = vector.broadcast %add3A_200 : i32 to vector<16xi32>
        %add3A_202 = arith.addi %add3A_190, %add3A_201 : vector<16xi32>
        %gather3A_203 = tpu.vector_load_idx %arg7[%add3A_202, %add3A_83] : memref<200x128xi32, #tpu.memory_space<vmem>>[vector<16xi32>, vector<16xi32>], vector<16xi32>,
        %gather3A_204 = tpu.vector_load_idx %arg6[%gather3A_203] : memref<30000xf32, #tpu.memory_space<vmem>>[vector<16xi32>], vector<16xf32>,
        %add3A_205 = arith.constant 3 : i32
        %add3A_206 = vector.broadcast %add3A_205 : i32 to vector<16xi32>
        %add3A_207 = arith.addi %add3A_190, %add3A_206 : vector<16xi32>
        %gather3A_208 = tpu.vector_load_idx %arg7[%add3A_207, %add3A_83] : memref<200x128xi32, #tpu.memory_space<vmem>>[vector<16xi32>, vector<16xi32>], vector<16xi32>,
        %gather3A_209 = tpu.vector_load_idx %arg6[%gather3A_208] : memref<30000xf32, #tpu.memory_space<vmem>>[vector<16xi32>], vector<16xf32>,
        %add3A_210 = arith.addf %add3A_184, %gather3A_194 : vector<16xf32>
        %add3A_211 = arith.addf %add3A_185, %gather3A_199 : vector<16xf32>
        %add3A_212 = arith.addf %add3A_186, %gather3A_204 : vector<16xf32>
        %add3A_213 = arith.addf %add3A_187, %gather3A_209 : vector<16xf32>
        %add3A_214 = arith.constant 4 : i32
        %add3A_215 = vector.broadcast %add3A_214 : i32 to vector<16xi32>
        %add3A_216 = arith.addi %add3A_190, %add3A_215 : vector<16xi32>
        %scan3A_217 = arith.constant 4 : i32
        %scan3A_218 = arith.addi %scan3A_110, %scan3A_217 : i32
        %gather3A_219 = tpu.vector_load_idx %arg7[%add3A_216, %add3A_83] : memref<200x128xi32, #tpu.memory_space<vmem>>[vector<16xi32>, vector<16xi32>], vector<16xi32>,
        %gather3A_220 = tpu.vector_load_idx %arg6[%gather3A_219] : memref<30000xf32, #tpu.memory_space<vmem>>[vector<16xi32>], vector<16xf32>,
        %add3A_221 = arith.constant 1 : i32
        %add3A_222 = vector.broadcast %add3A_221 : i32 to vector<16xi32>
        %add3A_223 = arith.addi %add3A_216, %add3A_222 : vector<16xi32>
        %gather3A_224 = tpu.vector_load_idx %arg7[%add3A_223, %add3A_83] : memref<200x128xi32, #tpu.memory_space<vmem>>[vector<16xi32>, vector<16xi32>], vector<16xi32>,
        %gather3A_225 = tpu.vector_load_idx %arg6[%gather3A_224] : memref<30000xf32, #tpu.memory_space<vmem>>[vector<16xi32>], vector<16xf32>,
        %add3A_226 = arith.constant 2 : i32
        %add3A_227 = vector.broadcast %add3A_226 : i32 to vector<16xi32>
        %add3A_228 = arith.addi %add3A_216, %add3A_227 : vector<16xi32>
        %gather3A_229 = tpu.vector_load_idx %arg7[%add3A_228, %add3A_83] : memref<200x128xi32, #tpu.memory_space<vmem>>[vector<16xi32>, vector<16xi32>], vector<16xi32>,
        %gather3A_230 = tpu.vector_load_idx %arg6[%gather3A_229] : memref<30000xf32, #tpu.memory_space<vmem>>[vector<16xi32>], vector<16xf32>,
        %add3A_231 = arith.constant 3 : i32
        %add3A_232 = vector.broadcast %add3A_231 : i32 to vector<16xi32>
        %add3A_233 = arith.addi %add3A_216, %add3A_232 : vector<16xi32>
        %gather3A_234 = tpu.vector_load_idx %arg7[%add3A_233, %add3A_83] : memref<200x128xi32, #tpu.memory_space<vmem>>[vector<16xi32>, vector<16xi32>], vector<16xi32>,
        %gather3A_235 = tpu.vector_load_idx %arg6[%gather3A_234] : memref<30000xf32, #tpu.memory_space<vmem>>[vector<16xi32>], vector<16xf32>,
        %add3A_236 = arith.addf %add3A_210, %gather3A_220 : vector<16xf32>
        %add3A_237 = arith.addf %add3A_211, %gather3A_225 : vector<16xf32>
        %add3A_238 = arith.addf %add3A_212, %gather3A_230 : vector<16xf32>
        %add3A_239 = arith.addf %add3A_213, %gather3A_235 : vector<16xf32>
        %add3A_240 = arith.constant 4 : i32
        %add3A_241 = vector.broadcast %add3A_240 : i32 to vector<16xi32>
        %add3A_242 = arith.addi %add3A_216, %add3A_241 : vector<16xi32>
        scf.yield %add3A_236, %add3A_237, %add3A_238, %add3A_239, %add3A_242 : vector<16xf32>, vector<16xf32>, vector<16xf32>, vector<16xf32>, vector<16xi32>
      }
      %scan3A_89 = arith.constant 50 : i32
      %add3A_90 = arith.addf %scan3A_88#0, %scan3A_88#1 : vector<16xf32>
      %add3A_91 = arith.addf %scan3A_88#2, %scan3A_88#3 : vector<16xf32>
      %add3A_92 = arith.addf %add3A_90, %add3A_91 : vector<16xf32>
      %mul3A_93 = arith.constant 5.000000e-03 : f32
      %mul3A_94 = vector.broadcast %mul3A_93 : f32 to vector<16xf32>
      %mul3A_95 = arith.mulf %add3A_92, %mul3A_94 : vector<16xf32>
      %exp3A = math.exp %mul3A_95 : vector<16xf32>
      %add3A_96 = arith.constant 1.000000e+00 : f32
      %add3A_97 = vector.broadcast %add3A_96 : f32 to vector<16xf32>
      %add3A_98 = arith.addf %add3A_97, %exp3A : vector<16xf32>
      %div3A = arith.constant 1.000000e+00 : f32
      %div3A_99 = vector.broadcast %div3A : f32 to vector<16xf32>
      %div3A_100 = arith.divf %div3A_99, %add3A_98 : vector<16xf32>
      %sub3A = arith.constant 1.000000e+00 : f32
      %sub3A_101 = vector.broadcast %sub3A : f32 to vector<16xf32>
      %sub3A_102 = arith.subf %sub3A_101, %div3A_100 : vector<16xf32>
      %mul3A_103 = arith.constant 16 : i32
      %mul3A_104 = arith.muli %scan3A_79, %mul3A_103 : i32
      %swap3A = arith.index_cast %mul3A_104 : i32 to index
      %swap3A_105 = tpu.vector_load %arg9[%swap3A] {strides = array<i32>} : memref<128xf32, #tpu.memory_space<vmem>>, vector<16xf32>,
      tpu.vector_store %arg9[%swap3A], %div3A_100 {strides = array<i32>} : memref<128xf32, #tpu.memory_space<vmem>>, vector<16xf32>,
      %mul3A_106 = arith.constant 16 : i32
      %mul3A_107 = arith.muli %scan3A_79, %mul3A_106 : i32
      %swap3A_108 = arith.index_cast %mul3A_107 : i32 to index
      %swap3A_109 = tpu.vector_load %arg10[%swap3A_108] {strides = array<i32>} : memref<128xf32, #tpu.memory_space<vmem>>, vector<16xf32>,
      tpu.vector_store %arg10[%swap3A_108], %sub3A_102 {strides = array<i32>} : memref<128xf32, #tpu.memory_space<vmem>>, vector<16xf32>,
    }
    %scan3A_66 = arith.constant 8 : i32
    "tpu.region"() ({
      %run_scoped3A = tpu.sem_alloc : memref<!tpu.dma_semaphore, #tpu.memory_space<semaphore_mem>>
      %dma_start3A_79 = tpu.memref_slice %arg4[%add3A_50] : memref<16384xf32, #tpu.memory_space<hbm>> -> memref<128xf32, #tpu.memory_space<hbm>>
      %dma_start3A_80 = tpu.memref_slice %arg4[%add3A_50] : memref<16384xf32, #tpu.memory_space<hbm>> -> memref<128xf32, #tpu.memory_space<hbm>>
      tpu.enqueue_dma source(%arg9 : memref<128xf32, #tpu.memory_space<vmem>>) target(%dma_start3A_80 : memref<128xf32, #tpu.memory_space<hbm>>) target_semaphore(%run_scoped3A : memref<!tpu.dma_semaphore, #tpu.memory_space<semaphore_mem>>)
      %dma_wait3A_81 = tpu.memref_slice %arg4[%add3A_50] : memref<16384xf32, #tpu.memory_space<hbm>> -> memref<128xf32, #tpu.memory_space<hbm>>
      %dma_wait3A_82 = tpu.memref_slice %arg4[%add3A_50] : memref<16384xf32, #tpu.memory_space<hbm>> -> memref<128xf32, #tpu.memory_space<hbm>>
      tpu.wait_dma2 semaphore(%run_scoped3A : memref<!tpu.dma_semaphore, #tpu.memory_space<semaphore_mem>>) src(%arg9 : memref<128xf32, #tpu.memory_space<vmem>>) dst(%dma_wait3A_82 : memref<128xf32, #tpu.memory_space<hbm>>)
      tpu.yield
    }) : () -> ()
    "tpu.region"() ({
      %run_scoped3A = tpu.sem_alloc : memref<!tpu.dma_semaphore, #tpu.memory_space<semaphore_mem>>
      %dma_start3A_79 = tpu.memref_slice %arg5[%add3A_50] : memref<16384xf32, #tpu.memory_space<hbm>> -> memref<128xf32, #tpu.memory_space<hbm>>
      %dma_start3A_80 = tpu.memref_slice %arg5[%add3A_50] : memref<16384xf32, #tpu.memory_space<hbm>> -> memref<128xf32, #tpu.memory_space<hbm>>
      tpu.enqueue_dma source(%arg10 : memref<128xf32, #tpu.memory_space<vmem>>) target(%dma_start3A_80 : memref<128xf32, #tpu.memory_space<hbm>>) target_semaphore(%run_scoped3A : memref<!tpu.dma_semaphore, #tpu.memory_space<semaphore_mem>>)
      %dma_wait3A_81 = tpu.memref_slice %arg5[%add3A_50] : memref<16384xf32, #tpu.memory_space<hbm>> -> memref<128xf32, #tpu.memory_space<hbm>>
      %dma_wait3A_82 = tpu.memref_slice %arg5[%add3A_50] : memref<16384xf32, #tpu.memory_space<hbm>> -> memref<128xf32, #tpu.memory_space<hbm>>
      tpu.wait_dma2 semaphore(%run_scoped3A : memref<!tpu.dma_semaphore, #tpu.memory_space<semaphore_mem>>) src(%arg10 : memref<128xf32, #tpu.memory_space<vmem>>) dst(%dma_wait3A_82 : memref<128xf32, #tpu.memory_space<hbm>>)
      tpu.yield
    }) : () -> ()
    %add3A_67 = arith.constant 384 : i32
    %add3A_68 = arith.addi %mul3A_7, %add3A_67 : i32
    %dma_wait3A_69 = arith.constant 0 : i32
    %dma_wait3A_70 = tpu.memref_slice %arg2[%dma_wait3A_69, %add3A_56] : memref<200x16384xi32, #tpu.memory_space<hbm>> -> memref<200x128xi32, #tpu.memory_space<hbm>>
    %dma_wait3A_71 = arith.constant 0 : i32
    %dma_wait3A_72 = tpu.memref_slice %arg2[%dma_wait3A_71, %add3A_56] : memref<200x16384xi32, #tpu.memory_space<hbm>> -> memref<200x128xi32, #tpu.memory_space<hbm>>
    tpu.wait_dma2 semaphore(%arg13 : memref<!tpu.dma_semaphore, #tpu.memory_space<semaphore_mem>>) src(%dma_wait3A_72 : memref<200x128xi32, #tpu.memory_space<hbm>>) dst(%arg8 : memref<200x128xi32, #tpu.memory_space<vmem>>)
    %scan3A_73 = arith.constant 0 : i32
    %scan3A_74 = arith.constant 0 : i32
    %scan3A_75 = arith.constant 8 : i32
    %scan3A_76 = arith.addi %scan3A_74, %scan3A_75 : i32
    %scan3A_77 = arith.constant 1 : i32
    scf.for %scan3A_79 = %scan3A_74 to %scan3A_76 step %scan3A_77  : i32 {
      %mul3A_80 = arith.constant 16 : i32
      %mul3A_81 = arith.muli %scan3A_79, %mul3A_80 : i32
      %add3A_82 = vector.broadcast %mul3A_81 : i32 to vector<16xi32>
      %add3A_83 = arith.addi %iota3A, %add3A_82 : vector<16xi32>
      %scan3A_84 = arith.constant 0 : i32
      %scan3A_85 = arith.constant 50 : i32
      %scan3A_86 = arith.addi %scan3A_84, %scan3A_85 : i32
      %scan3A_87 = arith.constant 5 : i32
      %scan3A_88:5 = scf.for %scan3A_110 = %scan3A_84 to %scan3A_86 step %scan3A_87 iter_args(%scan3A_111 = %broadcast_in_dim3A_5, %scan3A_112 = %broadcast_in_dim3A_5, %scan3A_113 = %broadcast_in_dim3A_5, %scan3A_114 = %broadcast_in_dim3A_5, %scan3A_115 = %broadcast_in_dim3A_1) -> (vector<16xf32>, vector<16xf32>, vector<16xf32>, vector<16xf32>, vector<16xi32>)  : i32 {
        %gather3A = tpu.vector_load_idx %arg8[%scan3A_115, %add3A_83] : memref<200x128xi32, #tpu.memory_space<vmem>>[vector<16xi32>, vector<16xi32>], vector<16xi32>,
        %gather3A_116 = tpu.vector_load_idx %arg6[%gather3A] : memref<30000xf32, #tpu.memory_space<vmem>>[vector<16xi32>], vector<16xf32>,
        %add3A_117 = arith.constant 1 : i32
        %add3A_118 = vector.broadcast %add3A_117 : i32 to vector<16xi32>
        %add3A_119 = arith.addi %scan3A_115, %add3A_118 : vector<16xi32>
        %gather3A_120 = tpu.vector_load_idx %arg8[%add3A_119, %add3A_83] : memref<200x128xi32, #tpu.memory_space<vmem>>[vector<16xi32>, vector<16xi32>], vector<16xi32>,
        %gather3A_121 = tpu.vector_load_idx %arg6[%gather3A_120] : memref<30000xf32, #tpu.memory_space<vmem>>[vector<16xi32>], vector<16xf32>,
        %add3A_122 = arith.constant 2 : i32
        %add3A_123 = vector.broadcast %add3A_122 : i32 to vector<16xi32>
        %add3A_124 = arith.addi %scan3A_115, %add3A_123 : vector<16xi32>
        %gather3A_125 = tpu.vector_load_idx %arg8[%add3A_124, %add3A_83] : memref<200x128xi32, #tpu.memory_space<vmem>>[vector<16xi32>, vector<16xi32>], vector<16xi32>,
        %gather3A_126 = tpu.vector_load_idx %arg6[%gather3A_125] : memref<30000xf32, #tpu.memory_space<vmem>>[vector<16xi32>], vector<16xf32>,
        %add3A_127 = arith.constant 3 : i32
        %add3A_128 = vector.broadcast %add3A_127 : i32 to vector<16xi32>
        %add3A_129 = arith.addi %scan3A_115, %add3A_128 : vector<16xi32>
        %gather3A_130 = tpu.vector_load_idx %arg8[%add3A_129, %add3A_83] : memref<200x128xi32, #tpu.memory_space<vmem>>[vector<16xi32>, vector<16xi32>], vector<16xi32>,
        %gather3A_131 = tpu.vector_load_idx %arg6[%gather3A_130] : memref<30000xf32, #tpu.memory_space<vmem>>[vector<16xi32>], vector<16xf32>,
        %add3A_132 = arith.addf %scan3A_111, %gather3A_116 : vector<16xf32>
        %add3A_133 = arith.addf %scan3A_112, %gather3A_121 : vector<16xf32>
        %add3A_134 = arith.addf %scan3A_113, %gather3A_126 : vector<16xf32>
        %add3A_135 = arith.addf %scan3A_114, %gather3A_131 : vector<16xf32>
        %add3A_136 = arith.constant 4 : i32
        %add3A_137 = vector.broadcast %add3A_136 : i32 to vector<16xi32>
        %add3A_138 = arith.addi %scan3A_115, %add3A_137 : vector<16xi32>
        %scan3A_139 = arith.constant 1 : i32
        %scan3A_140 = arith.addi %scan3A_110, %scan3A_139 : i32
        %gather3A_141 = tpu.vector_load_idx %arg8[%add3A_138, %add3A_83] : memref<200x128xi32, #tpu.memory_space<vmem>>[vector<16xi32>, vector<16xi32>], vector<16xi32>,
        %gather3A_142 = tpu.vector_load_idx %arg6[%gather3A_141] : memref<30000xf32, #tpu.memory_space<vmem>>[vector<16xi32>], vector<16xf32>,
        %add3A_143 = arith.constant 1 : i32
        %add3A_144 = vector.broadcast %add3A_143 : i32 to vector<16xi32>
        %add3A_145 = arith.addi %add3A_138, %add3A_144 : vector<16xi32>
        %gather3A_146 = tpu.vector_load_idx %arg8[%add3A_145, %add3A_83] : memref<200x128xi32, #tpu.memory_space<vmem>>[vector<16xi32>, vector<16xi32>], vector<16xi32>,
        %gather3A_147 = tpu.vector_load_idx %arg6[%gather3A_146] : memref<30000xf32, #tpu.memory_space<vmem>>[vector<16xi32>], vector<16xf32>,
        %add3A_148 = arith.constant 2 : i32
        %add3A_149 = vector.broadcast %add3A_148 : i32 to vector<16xi32>
        %add3A_150 = arith.addi %add3A_138, %add3A_149 : vector<16xi32>
        %gather3A_151 = tpu.vector_load_idx %arg8[%add3A_150, %add3A_83] : memref<200x128xi32, #tpu.memory_space<vmem>>[vector<16xi32>, vector<16xi32>], vector<16xi32>,
        %gather3A_152 = tpu.vector_load_idx %arg6[%gather3A_151] : memref<30000xf32, #tpu.memory_space<vmem>>[vector<16xi32>], vector<16xf32>,
        %add3A_153 = arith.constant 3 : i32
        %add3A_154 = vector.broadcast %add3A_153 : i32 to vector<16xi32>
        %add3A_155 = arith.addi %add3A_138, %add3A_154 : vector<16xi32>
        %gather3A_156 = tpu.vector_load_idx %arg8[%add3A_155, %add3A_83] : memref<200x128xi32, #tpu.memory_space<vmem>>[vector<16xi32>, vector<16xi32>], vector<16xi32>,
        %gather3A_157 = tpu.vector_load_idx %arg6[%gather3A_156] : memref<30000xf32, #tpu.memory_space<vmem>>[vector<16xi32>], vector<16xf32>,
        %add3A_158 = arith.addf %add3A_132, %gather3A_142 : vector<16xf32>
        %add3A_159 = arith.addf %add3A_133, %gather3A_147 : vector<16xf32>
        %add3A_160 = arith.addf %add3A_134, %gather3A_152 : vector<16xf32>
        %add3A_161 = arith.addf %add3A_135, %gather3A_157 : vector<16xf32>
        %add3A_162 = arith.constant 4 : i32
        %add3A_163 = vector.broadcast %add3A_162 : i32 to vector<16xi32>
        %add3A_164 = arith.addi %add3A_138, %add3A_163 : vector<16xi32>
        %scan3A_165 = arith.constant 2 : i32
        %scan3A_166 = arith.addi %scan3A_110, %scan3A_165 : i32
        %gather3A_167 = tpu.vector_load_idx %arg8[%add3A_164, %add3A_83] : memref<200x128xi32, #tpu.memory_space<vmem>>[vector<16xi32>, vector<16xi32>], vector<16xi32>,
        %gather3A_168 = tpu.vector_load_idx %arg6[%gather3A_167] : memref<30000xf32, #tpu.memory_space<vmem>>[vector<16xi32>], vector<16xf32>,
        %add3A_169 = arith.constant 1 : i32
        %add3A_170 = vector.broadcast %add3A_169 : i32 to vector<16xi32>
        %add3A_171 = arith.addi %add3A_164, %add3A_170 : vector<16xi32>
        %gather3A_172 = tpu.vector_load_idx %arg8[%add3A_171, %add3A_83] : memref<200x128xi32, #tpu.memory_space<vmem>>[vector<16xi32>, vector<16xi32>], vector<16xi32>,
        %gather3A_173 = tpu.vector_load_idx %arg6[%gather3A_172] : memref<30000xf32, #tpu.memory_space<vmem>>[vector<16xi32>], vector<16xf32>,
        %add3A_174 = arith.constant 2 : i32
        %add3A_175 = vector.broadcast %add3A_174 : i32 to vector<16xi32>
        %add3A_176 = arith.addi %add3A_164, %add3A_175 : vector<16xi32>
        %gather3A_177 = tpu.vector_load_idx %arg8[%add3A_176, %add3A_83] : memref<200x128xi32, #tpu.memory_space<vmem>>[vector<16xi32>, vector<16xi32>], vector<16xi32>,
        %gather3A_178 = tpu.vector_load_idx %arg6[%gather3A_177] : memref<30000xf32, #tpu.memory_space<vmem>>[vector<16xi32>], vector<16xf32>,
        %add3A_179 = arith.constant 3 : i32
        %add3A_180 = vector.broadcast %add3A_179 : i32 to vector<16xi32>
        %add3A_181 = arith.addi %add3A_164, %add3A_180 : vector<16xi32>
        %gather3A_182 = tpu.vector_load_idx %arg8[%add3A_181, %add3A_83] : memref<200x128xi32, #tpu.memory_space<vmem>>[vector<16xi32>, vector<16xi32>], vector<16xi32>,
        %gather3A_183 = tpu.vector_load_idx %arg6[%gather3A_182] : memref<30000xf32, #tpu.memory_space<vmem>>[vector<16xi32>], vector<16xf32>,
        %add3A_184 = arith.addf %add3A_158, %gather3A_168 : vector<16xf32>
        %add3A_185 = arith.addf %add3A_159, %gather3A_173 : vector<16xf32>
        %add3A_186 = arith.addf %add3A_160, %gather3A_178 : vector<16xf32>
        %add3A_187 = arith.addf %add3A_161, %gather3A_183 : vector<16xf32>
        %add3A_188 = arith.constant 4 : i32
        %add3A_189 = vector.broadcast %add3A_188 : i32 to vector<16xi32>
        %add3A_190 = arith.addi %add3A_164, %add3A_189 : vector<16xi32>
        %scan3A_191 = arith.constant 3 : i32
        %scan3A_192 = arith.addi %scan3A_110, %scan3A_191 : i32
        %gather3A_193 = tpu.vector_load_idx %arg8[%add3A_190, %add3A_83] : memref<200x128xi32, #tpu.memory_space<vmem>>[vector<16xi32>, vector<16xi32>], vector<16xi32>,
        %gather3A_194 = tpu.vector_load_idx %arg6[%gather3A_193] : memref<30000xf32, #tpu.memory_space<vmem>>[vector<16xi32>], vector<16xf32>,
        %add3A_195 = arith.constant 1 : i32
        %add3A_196 = vector.broadcast %add3A_195 : i32 to vector<16xi32>
        %add3A_197 = arith.addi %add3A_190, %add3A_196 : vector<16xi32>
        %gather3A_198 = tpu.vector_load_idx %arg8[%add3A_197, %add3A_83] : memref<200x128xi32, #tpu.memory_space<vmem>>[vector<16xi32>, vector<16xi32>], vector<16xi32>,
        %gather3A_199 = tpu.vector_load_idx %arg6[%gather3A_198] : memref<30000xf32, #tpu.memory_space<vmem>>[vector<16xi32>], vector<16xf32>,
        %add3A_200 = arith.constant 2 : i32
        %add3A_201 = vector.broadcast %add3A_200 : i32 to vector<16xi32>
        %add3A_202 = arith.addi %add3A_190, %add3A_201 : vector<16xi32>
        %gather3A_203 = tpu.vector_load_idx %arg8[%add3A_202, %add3A_83] : memref<200x128xi32, #tpu.memory_space<vmem>>[vector<16xi32>, vector<16xi32>], vector<16xi32>,
        %gather3A_204 = tpu.vector_load_idx %arg6[%gather3A_203] : memref<30000xf32, #tpu.memory_space<vmem>>[vector<16xi32>], vector<16xf32>,
        %add3A_205 = arith.constant 3 : i32
        %add3A_206 = vector.broadcast %add3A_205 : i32 to vector<16xi32>
        %add3A_207 = arith.addi %add3A_190, %add3A_206 : vector<16xi32>
        %gather3A_208 = tpu.vector_load_idx %arg8[%add3A_207, %add3A_83] : memref<200x128xi32, #tpu.memory_space<vmem>>[vector<16xi32>, vector<16xi32>], vector<16xi32>,
        %gather3A_209 = tpu.vector_load_idx %arg6[%gather3A_208] : memref<30000xf32, #tpu.memory_space<vmem>>[vector<16xi32>], vector<16xf32>,
        %add3A_210 = arith.addf %add3A_184, %gather3A_194 : vector<16xf32>
        %add3A_211 = arith.addf %add3A_185, %gather3A_199 : vector<16xf32>
        %add3A_212 = arith.addf %add3A_186, %gather3A_204 : vector<16xf32>
        %add3A_213 = arith.addf %add3A_187, %gather3A_209 : vector<16xf32>
        %add3A_214 = arith.constant 4 : i32
        %add3A_215 = vector.broadcast %add3A_214 : i32 to vector<16xi32>
        %add3A_216 = arith.addi %add3A_190, %add3A_215 : vector<16xi32>
        %scan3A_217 = arith.constant 4 : i32
        %scan3A_218 = arith.addi %scan3A_110, %scan3A_217 : i32
        %gather3A_219 = tpu.vector_load_idx %arg8[%add3A_216, %add3A_83] : memref<200x128xi32, #tpu.memory_space<vmem>>[vector<16xi32>, vector<16xi32>], vector<16xi32>,
        %gather3A_220 = tpu.vector_load_idx %arg6[%gather3A_219] : memref<30000xf32, #tpu.memory_space<vmem>>[vector<16xi32>], vector<16xf32>,
        %add3A_221 = arith.constant 1 : i32
        %add3A_222 = vector.broadcast %add3A_221 : i32 to vector<16xi32>
        %add3A_223 = arith.addi %add3A_216, %add3A_222 : vector<16xi32>
        %gather3A_224 = tpu.vector_load_idx %arg8[%add3A_223, %add3A_83] : memref<200x128xi32, #tpu.memory_space<vmem>>[vector<16xi32>, vector<16xi32>], vector<16xi32>,
        %gather3A_225 = tpu.vector_load_idx %arg6[%gather3A_224] : memref<30000xf32, #tpu.memory_space<vmem>>[vector<16xi32>], vector<16xf32>,
        %add3A_226 = arith.constant 2 : i32
        %add3A_227 = vector.broadcast %add3A_226 : i32 to vector<16xi32>
        %add3A_228 = arith.addi %add3A_216, %add3A_227 : vector<16xi32>
        %gather3A_229 = tpu.vector_load_idx %arg8[%add3A_228, %add3A_83] : memref<200x128xi32, #tpu.memory_space<vmem>>[vector<16xi32>, vector<16xi32>], vector<16xi32>,
        %gather3A_230 = tpu.vector_load_idx %arg6[%gather3A_229] : memref<30000xf32, #tpu.memory_space<vmem>>[vector<16xi32>], vector<16xf32>,
        %add3A_231 = arith.constant 3 : i32
        %add3A_232 = vector.broadcast %add3A_231 : i32 to vector<16xi32>
        %add3A_233 = arith.addi %add3A_216, %add3A_232 : vector<16xi32>
        %gather3A_234 = tpu.vector_load_idx %arg8[%add3A_233, %add3A_83] : memref<200x128xi32, #tpu.memory_space<vmem>>[vector<16xi32>, vector<16xi32>], vector<16xi32>,
        %gather3A_235 = tpu.vector_load_idx %arg6[%gather3A_234] : memref<30000xf32, #tpu.memory_space<vmem>>[vector<16xi32>], vector<16xf32>,
        %add3A_236 = arith.addf %add3A_210, %gather3A_220 : vector<16xf32>
        %add3A_237 = arith.addf %add3A_211, %gather3A_225 : vector<16xf32>
        %add3A_238 = arith.addf %add3A_212, %gather3A_230 : vector<16xf32>
        %add3A_239 = arith.addf %add3A_213, %gather3A_235 : vector<16xf32>
        %add3A_240 = arith.constant 4 : i32
        %add3A_241 = vector.broadcast %add3A_240 : i32 to vector<16xi32>
        %add3A_242 = arith.addi %add3A_216, %add3A_241 : vector<16xi32>
        scf.yield %add3A_236, %add3A_237, %add3A_238, %add3A_239, %add3A_242 : vector<16xf32>, vector<16xf32>, vector<16xf32>, vector<16xf32>, vector<16xi32>
      }
      %scan3A_89 = arith.constant 50 : i32
      %add3A_90 = arith.addf %scan3A_88#0, %scan3A_88#1 : vector<16xf32>
      %add3A_91 = arith.addf %scan3A_88#2, %scan3A_88#3 : vector<16xf32>
      %add3A_92 = arith.addf %add3A_90, %add3A_91 : vector<16xf32>
      %mul3A_93 = arith.constant 5.000000e-03 : f32
      %mul3A_94 = vector.broadcast %mul3A_93 : f32 to vector<16xf32>
      %mul3A_95 = arith.mulf %add3A_92, %mul3A_94 : vector<16xf32>
      %exp3A = math.exp %mul3A_95 : vector<16xf32>
      %add3A_96 = arith.constant 1.000000e+00 : f32
      %add3A_97 = vector.broadcast %add3A_96 : f32 to vector<16xf32>
      %add3A_98 = arith.addf %add3A_97, %exp3A : vector<16xf32>
      %div3A = arith.constant 1.000000e+00 : f32
      %div3A_99 = vector.broadcast %div3A : f32 to vector<16xf32>
      %div3A_100 = arith.divf %div3A_99, %add3A_98 : vector<16xf32>
      %sub3A = arith.constant 1.000000e+00 : f32
      %sub3A_101 = vector.broadcast %sub3A : f32 to vector<16xf32>
      %sub3A_102 = arith.subf %sub3A_101, %div3A_100 : vector<16xf32>
      %mul3A_103 = arith.constant 16 : i32
      %mul3A_104 = arith.muli %scan3A_79, %mul3A_103 : i32
      %swap3A = arith.index_cast %mul3A_104 : i32 to index
      %swap3A_105 = tpu.vector_load %arg9[%swap3A] {strides = array<i32>} : memref<128xf32, #tpu.memory_space<vmem>>, vector<16xf32>,
      tpu.vector_store %arg9[%swap3A], %div3A_100 {strides = array<i32>} : memref<128xf32, #tpu.memory_space<vmem>>, vector<16xf32>,
      %mul3A_106 = arith.constant 16 : i32
      %mul3A_107 = arith.muli %scan3A_79, %mul3A_106 : i32
      %swap3A_108 = arith.index_cast %mul3A_107 : i32 to index
      %swap3A_109 = tpu.vector_load %arg10[%swap3A_108] {strides = array<i32>} : memref<128xf32, #tpu.memory_space<vmem>>, vector<16xf32>,
      tpu.vector_store %arg10[%swap3A_108], %sub3A_102 {strides = array<i32>} : memref<128xf32, #tpu.memory_space<vmem>>, vector<16xf32>,
    }
    %scan3A_78 = arith.constant 8 : i32
    "tpu.region"() ({
      %run_scoped3A = tpu.sem_alloc : memref<!tpu.dma_semaphore, #tpu.memory_space<semaphore_mem>>
      %dma_start3A_79 = tpu.memref_slice %arg4[%add3A_68] : memref<16384xf32, #tpu.memory_space<hbm>> -> memref<128xf32, #tpu.memory_space<hbm>>
      %dma_start3A_80 = tpu.memref_slice %arg4[%add3A_68] : memref<16384xf32, #tpu.memory_space<hbm>> -> memref<128xf32, #tpu.memory_space<hbm>>
      tpu.enqueue_dma source(%arg9 : memref<128xf32, #tpu.memory_space<vmem>>) target(%dma_start3A_80 : memref<128xf32, #tpu.memory_space<hbm>>) target_semaphore(%run_scoped3A : memref<!tpu.dma_semaphore, #tpu.memory_space<semaphore_mem>>)
      %dma_wait3A_81 = tpu.memref_slice %arg4[%add3A_68] : memref<16384xf32, #tpu.memory_space<hbm>> -> memref<128xf32, #tpu.memory_space<hbm>>
      %dma_wait3A_82 = tpu.memref_slice %arg4[%add3A_68] : memref<16384xf32, #tpu.memory_space<hbm>> -> memref<128xf32, #tpu.memory_space<hbm>>
      tpu.wait_dma2 semaphore(%run_scoped3A : memref<!tpu.dma_semaphore, #tpu.memory_space<semaphore_mem>>) src(%arg9 : memref<128xf32, #tpu.memory_space<vmem>>) dst(%dma_wait3A_82 : memref<128xf32, #tpu.memory_space<hbm>>)
      tpu.yield
    }) : () -> ()
    "tpu.region"() ({
      %run_scoped3A = tpu.sem_alloc : memref<!tpu.dma_semaphore, #tpu.memory_space<semaphore_mem>>
      %dma_start3A_79 = tpu.memref_slice %arg5[%add3A_68] : memref<16384xf32, #tpu.memory_space<hbm>> -> memref<128xf32, #tpu.memory_space<hbm>>
      %dma_start3A_80 = tpu.memref_slice %arg5[%add3A_68] : memref<16384xf32, #tpu.memory_space<hbm>> -> memref<128xf32, #tpu.memory_space<hbm>>
      tpu.enqueue_dma source(%arg10 : memref<128xf32, #tpu.memory_space<vmem>>) target(%dma_start3A_80 : memref<128xf32, #tpu.memory_space<hbm>>) target_semaphore(%run_scoped3A : memref<!tpu.dma_semaphore, #tpu.memory_space<semaphore_mem>>)
      %dma_wait3A_81 = tpu.memref_slice %arg5[%add3A_68] : memref<16384xf32, #tpu.memory_space<hbm>> -> memref<128xf32, #tpu.memory_space<hbm>>
      %dma_wait3A_82 = tpu.memref_slice %arg5[%add3A_68] : memref<16384xf32, #tpu.memory_space<hbm>> -> memref<128xf32, #tpu.memory_space<hbm>>
      tpu.wait_dma2 semaphore(%run_scoped3A : memref<!tpu.dma_semaphore, #tpu.memory_space<semaphore_mem>>) src(%arg10 : memref<128xf32, #tpu.memory_space<vmem>>) dst(%dma_wait3A_82 : memref<128xf32, #tpu.memory_space<hbm>>)
      tpu.yield
    }) : () -> ()
    return
  }
}

</mosaic_0001>

<sc_bundles>
// kernel: kernel.3.cloned.1.call-start
scs
__scs_entry_jumppad:
0x0: {  	(pc) =	sbr.rel $0x88, $3  }
0x1: {  	(tag) =	ssettag $0x0;
	lr =	simm.s32 $0x1  }
0x2: {  	[smem:$0x3F9F] =	sst lr;
	_ =	strace $0xD0000000  }
0x3: {  	_ = 	snop  }
0x4: {  	_ = 	snop  }
0x5: {  	_ = 	snop  }
0x6: {  	_ = 	snop  }
0x7: {  	_ = 	snop  }
__scs_overlays_trampoline_lowered:
0x8: {  	[smem:$0x3FAE] =	sst s0  }
0x9: {  	[smem:$0x3FAF] =	sst s1  }
0xa: {  	[smem:$0x3FB0] =	sst s2  }
0xb: {  	[smem:$0x3FB1] =	sst s3  }
0xc: {  	[smem:$0x3FB2] =	sst s4  }
0xd: {  	[smem:$0x3FB3] =	sst s5  }
0xe: {  	[smem:$0x3FB4] =	sst s6  }
0xf: {  	[smem:$0x3FB5] =	sst s7  }
0x10: {  	[smem:$0x3FB6] =	sst s8  }
0x11: {  	[smem:$0x3FB7] =	sst s9;
	s0 =	simm.s32 @!p0 $0x0  }
0x12: {  	s1 =	sld [smem:$0x3F9D];
	s0 =	simm.s32 @p0 $0x1  }
0x13: {  	[smem:$0x3FB8] =	sst s0;
	s0 =	simm.s32 @!p1 $0x0  }
0x14: {  	s2 =	sld [smem:$0x3F9C];
	s0 =	simm.s32 @p1 $0x1  }
0x15: {  	[smem:$0x3FB9] =	sst s0;
	s0 =	simm.s32 @!p2 $0x0  }
0x16: {  	s3 =	sld [smem:$0x3FDB];
	s0 =	simm.s32 @p2 $0x1  }
0x17: {  	s4 =	simm.s32 $0x1BF5;
	[smem:$0x3FBB] =	sst s0  }
0x18: {  	s0 =	sld [smem:$0x3F9E];
	_ =	swait.ge [sflag:s4], $0x0  }
0x19: {  	s7 =	sld [smem:$0x3F9F]  }
0x1a: {  	s8 =	sadd.s32 $0xFFFFE003, lr  }
0x1b: {  	s9 =	sadd.s32 $0xFFFFFEF7, lr;
	s5 =	simm.s32 $0xFFFFFFFF;
	p2 =	slt.u32 s8, $0xFFFFF086  }
0x1c: {  	p1 =	slt.u32 s9, $0xF7A;
	s5 =	simm.s32 @!p2 $0x0  }
0x1d: {  	s5 =	simm.s32 @p1 $0x1;
	p0 =	seq.s32 s7, s2  }
0x1e: {  	s7 =	smul.u32 @!p0 $0xF7A, s2;
	p2 =	seq.s32 @!p0 s5, $0x0  }
0x1f: {  	s9 =	smul.u32 $0xF7A, s1;
	s8 =	simm.s32 @!p0 $0x1BF5;
	p2 =	por !p2, p0  }
0x20: {  	[sflag:s8] =	ssyncset.s32 @!p0 $0xFFFFF086;
	s6 =	sadd.s32 @!p0 s3, s7;
	s7 =	simm.s32 @!p0 $0x108  }
0x21: {  	s3 =	sadd.s32 s3, s9;
	s6 =	sadd.s32 @!p0 $0x88, s6;
	s7 =	simm.s32 @p2 $0x1082  }
0x22: {  	[simem:s7], [sflag:s8] =	dma.local @!p0 [hbm:s6], $0xF7A  }
0x23: {  	s9 =	sor.u32 $0xD0000000, s2;
	s6 =	simm.s32 $0x108;
	_ =	swait.ge @!p0 [sflag:s8], $0x0  }
0x24: {  	s3 =	sadd.s32 $0x88, s3;
	s6 =	simm.s32 @!p1 $0x1082;
	[sflag:s4] =	ssyncset.s32 $0xFFFFF086  }
0x25: {  	[simem:s6], [sflag:s4] =	dma.local [hbm:s3], $0xF7A  }
0x26: {  	[smem:$0x3F9F] =	sst s1;
	(tag) =	ssettag s2;
	_ =	strace s9  }
0x27: {  	s1 =	sld [smem:$0x3FAF]  }
0x28: {  	s2 =	sld [smem:$0x3FB0]  }
0x29: {  	s4 =	sld [smem:$0x3FB2]  }
0x2a: {  	p0 =	seq.s32 s5, $0x0;
	s5 =	sld [smem:$0x3FB3]  }
0x2b: {  	s6 =	sld [smem:$0x3FB4]  }
0x2c: {  	s7 =	sld [smem:$0x3FB5]  }
0x2d: {  	s3 =	simm.s32 $0x108;
	s8 =	sld [smem:$0x3FB6]  }
0x2e: {  	s3 =	simm.s32 @!p0 $0x1082;
	s9 =	sld [smem:$0x3FB7]  }
0x2f: {  	lr =	sadd.s32 s0, s3;
	s0 =	sld [smem:$0x3FAE]  }
0x30: {  	s3 =	sld [smem:$0x3FB1]  }
0x31: {  	[smem:$0x3FBA] =	sst s10  }
0x32: {  	s10 =	sld [smem:$0x3FB8];
	_ =	sdelay $0x3  }
0x33: {  	p0 =	seq.s32 s10, $0x1;
	s10 =	sld [smem:$0x3FBA];
	_ =	sdelay $0x3  }
0x34: {  	[smem:$0x3FBA] =	sst s10  }
0x35: {  	s10 =	sld [smem:$0x3FB9];
	_ =	sdelay $0x3  }
0x36: {  	p1 =	seq.s32 s10, $0x1;
	s10 =	sld [smem:$0x3FBA];
	_ =	sdelay $0x3  }
0x37: {  	[smem:$0x3FBA] =	sst s10  }
0x38: {  	s10 =	sld [smem:$0x3FBB]  }
0x39: {  	_ = 	snop;
	(pc) =	sbr.ind lr, $3  }
0x3a: {  	_ = 	snop  }
0x3b: {  	_ = 	snop  }
0x3c: {  	p2 =	seq.s32 s10, $0x1;
	s10 =	sld [smem:$0x3FBA]  }
0x3d: {  	_ =	shalt  }
0x3e: {  	_ =	shalt  }
0x3f: {  	_ =	shalt  }
0x40: {  	_ =	shalt  }
0x41: {  	_ =	shalt  }
0x42: {  	_ =	shalt  }
0x43: {  	_ =	shalt  }
0x44: {  	_ =	shalt  }
0x45: {  	_ =	shalt  }
0x46: {  	_ =	shalt  }
0x47: {  	_ =	shalt  }
0x48: {  	_ =	shalt  }
0x49: {  	_ =	shalt  }
0x4a: {  	_ =	shalt  }
0x4b: {  	_ =	shalt  }
0x4c: {  	_ =	shalt  }
0x4d: {  	_ =	shalt  }
0x4e: {  	_ =	shalt  }
0x4f: {  	_ =	shalt  }
0x50: {  	_ =	shalt  }
0x51: {  	_ =	shalt  }
0x52: {  	_ =	shalt  }
0x53: {  	_ =	shalt  }
0x54: {  	_ =	shalt  }
0x55: {  	_ =	shalt  }
0x56: {  	_ =	shalt  }
0x57: {  	_ =	shalt  }
0x58: {  	_ =	shalt  }
0x59: {  	_ =	shalt  }
0x5a: {  	_ =	shalt  }
0x5b: {  	_ =	shalt  }
0x5c: {  	_ =	shalt  }
0x5d: {  	_ =	shalt  }
0x5e: {  	_ =	shalt  }
0x5f: {  	_ =	shalt  }
0x60: {  	_ =	shalt  }
0x61: {  	_ =	shalt  }
0x62: {  	_ =	shalt  }
0x63: {  	_ =	shalt  }
0x64: {  	_ =	shalt  }
0x65: {  	_ =	shalt  }
0x66: {  	_ =	shalt  }
0x67: {  	_ =	shalt  }
0x68: {  	_ =	shalt  }
0x69: {  	_ =	shalt  }
0x6a: {  	_ =	shalt  }
0x6b: {  	_ =	shalt  }
0x6c: {  	_ =	shalt  }
0x6d: {  	_ =	shalt  }
0x6e: {  	_ =	shalt  }
0x6f: {  	_ =	shalt  }
0x70: {  	_ =	shalt  }
0x71: {  	_ =	shalt  }
0x72: {  	_ =	shalt  }
0x73: {  	_ =	shalt  }
0x74: {  	_ =	shalt  }
0x75: {  	_ =	shalt  }
0x76: {  	_ =	shalt  }
0x77: {  	_ =	shalt  }
0x78: {  	_ =	shalt  }
0x79: {  	_ =	shalt  }
0x7a: {  	_ =	shalt  }
0x7b: {  	_ =	shalt  }
0x7c: {  	_ =	shalt  }
0x7d: {  	_ =	shalt  }
0x7e: {  	_ =	shalt  }
0x7f: {  	_ =	shalt  }
0x80: {  	_ =	shalt  }
0x81: {  	_ =	shalt  }
0x82: {  	_ =	shalt  }
0x83: {  	_ =	shalt  }
0x84: {  	_ =	shalt  }
0x85: {  	_ =	shalt  }
0x86: {  	_ =	shalt  }
0x87: {  	_ =	shalt  }
.Lfunc_end0:
.L_simem_size_0:
called_computation_lowered:
.L_overlay_start_0:
0x88: {  	s2 =	sld [smem:$0x3FD9]  }
0x89: {  	s3 =	sld [smem:$0x3FFE];
	_ =	sdelay $0x1  }
0x8a: {  	s1 =	srdreg.scid  }
0x8b: {  	s0 =	sand.u32 $0x1, s1  }
0x8c: {  	s17 =	sshll.u32 s0, $0xA;
	s2 =	sadd.s32 s3, s2  }
0x8d: {  	s2 =	sadd.s32 s2, s17  }
0x8e: {  	[smem:$0x3FC6] =	sst s2  }
0x8f: {  	_ = 	snop  }
0x90: {  	s2 =	sld [smem:$0x3FC9]  }
0x91: {  	s18 =	sld [smem:$0x3FD0];
	(tm) =	ssettm $0x1  }
0x92: {  	s4 =	sld [smem:$0x3FFB];
	_ =	sdelay $0x3  }
0x93: {  	_ =	strace s4  }
0x94: {  	s4 =	sld [smem:$0x3FFC];
	_ =	sdelay $0x3  }
0x95: {  	_ =	strace s4  }
0x96: {  	s4 =	sld [smem:$0x3FFD];
	_ =	sdelay $0x3  }
0x97: {  	_ =	strace s4  }
0x98: {  	_ =	strace $0x8FFFFFFF  }
0x99: {  	s19 =	sld [smem:$0x3FDB];
	_ =	sdelay $0x1  }
0x9a: {  	s5 =	simm.s32 $_scs_section_size  }
0x9b: {  	s6 =	simm.s32 $_size__tile_overlayer_lowered;
	s7 =	simm.s32 $_tile_overlayer_lowered  }
0x9c: {  	s22 =	simm.s32 $0x1BFF;
	s21 =	sshll.u32 s7, $0x1;
	s4 =	sadd.s32 s5, s19  }
0x9d: {  	s8 =	simm.s32 $0x0;
	s20 =	sshll.u32 s6, $0x1;
	s6 =	sadd.s32 s21, s4  }
0x9e: {  	[timem:s8], [sflag:s22] =	dma.local [hbm:s6], s20  }
0x9f: {  	_ =	swait.ge [sflag:s22], s20  }
0xa0: {  	s5 =	ssub.s32 $0x0, s20;
	[sflag:s22] =	ssyncset.done $0x0  }
0xa1: {  	[sflag:s22] =	ssyncadd.s32 s5;
	_ =	sdelay $0x1  }
0xa2: {  	s23 =	simm.s32 $0x1B8B  }
0xa3: {  	_ =	swait.ge [sflag:s23], $0x1  }
0xa4: {  	[sflag:s23] =	ssyncset.done $0x0  }
0xa5: {  	s25 =	simm.s32 $0x1B8E;
	s24 =	sld [smem:$0x3FFE];
	[sflag:s23] =	ssyncadd.s32 $0xFFFFFFFF  }
0xa6: {  	s26 =	simm.s32 $execute0_lowered;
	[smem:$0x3FD2] =	sst s25  }
0xa7: {  	s6 =	sshll.u32 s26, $0x1;
	_ =	strace $0x80000046;
	[dreg:$0x1] =	wrdreg $0xFFFFFFFF  }
0xa8: {  	s28 =	simm.s32 $_size_execute0_lowered;
	s4 =	sadd.s32 s4, s6;
	[dreg:$0x0] =	wrdreg $0x0  }
0xa9: {  	s6 =	sshll.u32 s28, $0x1;
	[dreg:$0x2] =	wrdreg s4  }
0xaa: {  	[dreg:$0x3] =	wrdreg s6  }
0xab: {  	[dreg:$0x4] =	wrdreg $0xC0  }
0xac: {  	_ =	task [dreg:s8], $0x5FFFF  }
0xad: {  	[dreg:$0x1] =	wrdreg $0xFFFFFFFF  }
0xae: {  	[dreg:$0x0] =	wrdreg $0x60  }
0xaf: {  	[dreg:$0x2] =	wrdreg s2  }
0xb0: {  	[dreg:$0x3] =	wrdreg s18  }
0xb1: {  	[dreg:$0x4] =	wrdreg s24  }
0xb2: {  	[dreg:$0x5] =	wrdreg $0x9  }
0xb3: {  	_ =	task.clear_ibuf [dreg:s8], $0x6FFFF;
	_ =	strace $0x90000046  }
0xb4: {  	s29 =	simm.s32 $0x9;
	_ =	strace $0x80000048  }
0xb5: {  	_ =	swait.ge [sflag:s29], $0x1  }
0xb6: {  	[sflag:s29] =	ssyncadd.s32 $0xFFFFFFFF  }
0xb7: {  	_ =	strace $0x90000048  }
0xb8: {  	_ =	sfence  }
0xb9: {  	s30 =	sld [smem:$0x0];
	_ =	sdelay $0x2  }
0xba: {  	s31 =	sshll.u32 s1, $0xD;
	s1 =	sshrl.u32 s1, $0x2  }
0xbb: {  	s3 =	sand.u32 $0x4000, s31;
	s1 =	sadd.s32 s1, s30  }
0xbc: {  	s0 =	sor.u32 s3, s0;
	s1 =	sshll.u32 s1, $0x11  }
0xbd: {  	s0 =	sor.u32 s1, s0  }
0xbe: {  	s0 =	sadd.s32 $0x8F2B, s0  }
0xbf: {  	[sflag:s0] =	ssyncadd.remote.s32 $0x1  }
0xc0: {  	_ =	sfence.sel $0xFFFF  }
0xc1: {  	[dreg:$0x0] =	wrdreg $0xFFFFFFFF;
	(pc) =	sbr.abs _section_cstart, $3  }
0xc2: {  	[dreg:$0x1] =	wrdreg $0xFFFFFFFF  }
0xc3: {  	_ =	task.clear_ibuf [dreg:s8], $0x2FFFF;
	_ =	strace $0x9FFFFFFF  }
0xc4: {  	(tm) =	ssettm $0x7FFFFFFF  }
0xc5: {  	_ =	shalt  }
tec
execute0_lowered:
.L_overlay_start_1:
0x0: {  	(tag) =	ssettag $0x1  }
0x1: {  	s11 =	rddreg [dreg:$0x0]  }
0x2: {  	s1 =	rddreg [dreg:$0x1]  }
0x3: {  	s4 =	rddreg [dreg:$0x2]  }
0x4: {  	s0 =	rddreg [dreg:$0x3];
	s5 =	srdreg.scid  }
0x5: {  	s3 =	simm.s32 $0x0;
	s2 =	stileid.u32;
	s19 =	simm.s32 $0x7580  }
0x6: {  	s20 =	simm.s32 $0x1;
	s21 =	simm.s32 $0x2;
	s22 =	simm.s32 $0xD980  }
0x7: {  	s23 =	simm.s32 $0x13D80;
	s24 =	simm.s32 $0x4;
	s25 =	simm.s32 $0x13E00  }
0x8: {  	s28 =	simm.s32 $0x0;
	s5 =	sand.u32 $0x1, s5;
	[smem:$0x7FF] =	sst s3  }
0x9: {  	s6 =	sshll.u32 s2, $0xA;
	s14 =	sadd.s32 $0x400, s4;
	s7 =	sshll.u32 s5, $0x9  }
0xa: {  	s15 =	sadd.s32 $0xC00, s4;
	s5 =	ssub.s32 $0x2, s5;
	s6 =	sor.u32 s7, s6  }
0xb: {  	_ =	strace $0x80000047;
	s26 =	sshrl.u32 s5, $0x1;
	s10 =	sshrl.u32 s6, $0x7  }
0xc: {  	s16 =	ssub.s32 s5, s26;
	s4 =	sadd.s32 s11, s6;
	s30 =	sshrl.u32 s6, $0x3  }
0xd: {  	v0 =	vlaneseq.u32;
	s26 =	simm.s32 $0x3;
	s8 =	sor.u32 $0x1, s10;
	s6 =	sadd.s32 s14, s30  }
0xe: {  	v1 =	vor.u32 $0x200, v0;
	s12 =	sor.u32 $0x2, s10;
	s7 =	sadd.s32 s15, s30;
	s17 =	sor.u32 $0x3, s10  }
0xf: {  	v59 =	vor.u32 $0x280, v0;
	v60 =	vor.u32 $0x300, v0;
	v61 =	vor.u32 $0x380, v0;
	[tilespmem:$0x1FFA0] =	vst v1;
	s16 =	smax.u32 s16, $0x1;
	s29 =	sshll.u32 s8, $0x7;
	s9 =	sshll.u32 s12, $0x7  }
0x10: {  	v62 =	vor.u32 $0x400, v0;
	v63 =	vor.u32 $0x480, v0;
	v9 =	vor.u32 $0x500, v0;
	[tilespmem:$0x1FFB0] =	vst v59;
	s13 =	sshll.u32 s8, $0x4;
	s31 =	sshll.u32 s17, $0x7;
	s18 =	sshll.u32 s12, $0x4  }
0x11: {  	v10 =	vor.u32 $0x580, v0;
	v11 =	vor.u32 $0x600, v0;
	v12 =	vor.u32 $0x680, v0;
	[tilespmem:$0x1FFC0] =	vst v60;
	s17 =	sshll.u32 s17, $0x4;
	s5 =	sadd.s32 s11, s29;
	s8 =	sadd.s32 s11, s9  }
0x12: {  	v13 =	vor.u32 $0x700, v0;
	v14 =	vor.u32 $0x780, v0;
	v15 =	vor.u32 $0x800, v0;
	[tilespmem:$0x1FFD0] =	vst v61;
	s9 =	sadd.s32 s14, s13;
	s10 =	sadd.s32 s15, s13;
	s11 =	sadd.s32 s11, s31  }
0x13: {  	v16 =	vor.u32 $0x880, v0;
	v17 =	vor.u32 $0x900, v0;
	v18 =	vor.u32 $0x980, v0;
	[tilespmem:$0x1FFE0] =	vst v62;
	s12 =	sadd.s32 s14, s18;
	s13 =	sadd.s32 s15, s18;
	s14 =	sadd.s32 s14, s17  }
0x14: {  	v19 =	vor.u32 $0x80, v0;
	v20 =	vor.u32 $0x100, v0;
	v21 =	vor.u32 $0x180, v0;
	[tilespmem:$0x1FFF0] =	vst v63;
	s15 =	sadd.s32 s15, s17;
	s17 =	simm.s32 $0x400;
	s18 =	simm.s32 $0x20000  }
.LBB2_1:
0x15: {  	[tilespmem:s3], [sflag:$0x1] =	stream.linear.gather [hbm4b:s1+s3], $0x7580, $0x38;
	[tilespmem:$0x13E80] =	vst v63  }
0x16: {  	v0 =	vimm.s32 $0x0  }
0x17: {  	[tilespmem:s19], [sflag:$0x2] =	stream.strided.gather [hbm4b:s4+s17], $0x6400, s18, s17, $0x38;
	[tilespmem:$0x13E80] =	vst v63  }
0x18: {  	_ =	swait.ge [sflag:s20], $0x7580  }
0x19: {  	[sflag:s20] =	ssyncset.done $0x0  }
0x1a: {  	v1 =	vimm.f32 $0.0e+00;
	[sflag:s20] =	ssyncadd.s32 $0xFFFF8A80  }
0x1b: {  	[tilespmem:v0+s3+$0x0] =	vst.idx.msk $0x1, v1  }
0x1c: {  	_ =	swait.ge [sflag:s21], $0x6400  }
0x1d: {  	[sflag:s21] =	ssyncset.done $0x0  }
0x1e: {  	s29 =	simm.s32 $0x0;
	[sflag:s21] =	ssyncadd.s32 $0xFFFF9C00  }
0x1f: {  	[tilespmem:s22], [sflag:$0x3] =	stream.strided.gather [hbm4b:s5+s17], $0x6400, s18, s17, $0x38;
	[tilespmem:$0x13E80] =	vst v63  }
.LBB2_2:
0x20: {  	v3 =	vld [tilespmem:$0x1FFE0];
	_ =	sdelay $0x1  }
0x21: {  	s30 =	sshll.u32 s29, $0x4;
	v46 =	vimm.s32 $0x0  }
0x22: {  	v0 =	vshll.u32 v46, $0x7;
	v24 =	vadd.s32 s30, v17  }
0x23: {  	v31 =	vadd.s32 v24, v0  }
0x24: {  	v30 =	vadd.s32 s30, v3;
	v3 =	vld [tilespmem:$0x1FFF0]  }
0x25: {  	v22 =	vadd.s32 s30, v15  }
0x26: {  	v26 =	vadd.s32 s30, v11;
	v1 =	vadd.s32 v22, v0  }
0x27: {  	v27 =	vadd.s32 s30, v12;
	v35 =	vadd.s32 v26, v0  }
0x28: {  	v36 =	vadd.s32 v27, v0;
	v33 =	vld.idx.msk [tilespmem:v31+s19+$0x0], $0xffff  }
0x29: {  	v23 =	vadd.s32 s30, v16;
	v31 =	vadd.s32 s30, v3;
	v3 =	vld [tilespmem:$0x1FFA0]  }
0x2a: {  	v25 =	vadd.s32 s30, v18;
	v2 =	vadd.s32 v23, v0  }
0x2b: {  	v28 =	vadd.s32 s30, v13;
	v32 =	vadd.s32 v25, v0;
	v1 =	vld.idx.msk [tilespmem:v1+s19+$0x0], $0xffff  }
0x2c: {  	v29 =	vadd.s32 s30, v14;
	v37 =	vadd.s32 v28, v0;
	v49 =	vld.idx.msk [tilespmem:v35+s19+$0x0], $0xffff  }
0x2d: {  	v38 =	vadd.s32 v29, v0;
	v50 =	vld.idx.msk [tilespmem:v36+s19+$0x0], $0xffff  }
0x2e: {  	v35 =	vadd.s32 s30, v10;
	v36 =	vadd.s32 s30, v3;
	v3 =	vld [tilespmem:$0x1FFB0]  }
0x2f: {  	v2 =	vld.idx.msk [tilespmem:v2+s19+$0x0], $0xffff;
	v42 =	vadd.s32 v35, v0  }
0x30: {  	v39 =	vadd.s32 v30, v0;
	v34 =	vld.idx.msk [tilespmem:v32+s19+$0x0], $0xffff;
	v32 =	vadd.s32 s30, v9  }
0x31: {  	v45 =	vld.idx.msk [tilespmem:v37+s19+$0x0], $0xffff;
	v41 =	vadd.s32 v32, v0  }
0x32: {  	v44 =	vld.idx.msk [tilespmem:v38+s19+$0x0], $0xffff;
	v40 =	vadd.s32 v31, v0  }
0x33: {  	v37 =	vadd.s32 s30, v3;
	v3 =	vld [tilespmem:$0x1FFC0]  }
0x34: {  	v53 =	vld.idx.msk [tilespmem:v42+s19+$0x0], $0xffff;
	v42 =	vor.u32 s30, v20  }
0x35: {  	v52 =	vld.idx.msk [tilespmem:v39+s19+$0x0], $0xffff;
	v58 =	vor.u32 v0, v42  }
0x36: {  	v51 =	vld.idx.msk [tilespmem:v41+s19+$0x0], $0xffff;
	v41 =	vor.u32 s30, v19  }
0x37: {  	v57 =	vor.u32 v0, v41;
	v54 =	vld.idx.msk [tilespmem:v40+s19+$0x0], $0xffff  }
0x38: {  	v38 =	vadd.s32 s30, v3;
	v3 =	vld [tilespmem:$0x1FFD0]  }
0x39: {  	v49 =	vld.idx.msk [tilespmem:v49+s3+$0x0], $0xffff;
	v43 =	vadd.s32 v36, v0  }
0x3a: {  	v63 =	vld.idx.msk [tilespmem:v58+s19+$0x0], $0xffff  }
0x3b: {  	v50 =	vld.idx.msk [tilespmem:v50+s3+$0x0], $0xffff;
	v47 =	vadd.s32 v37, v0  }
0x3c: {  	v62 =	vld.idx.msk [tilespmem:v57+s19+$0x0], $0xffff  }
0x3d: {  	v57 =	vld.idx.msk [tilespmem:v52+s3+$0x0], $0xffff;
	v39 =	vadd.s32 s30, v3;
	v3 =	vlaneseq.u32  }
0x3e: {  	v59 =	vld.idx.msk [tilespmem:v43+s19+$0x0], $0xffff;
	v48 =	vadd.s32 v38, v0;
	v40 =	vor.u32 s30, v3  }
0x3f: {  	v43 =	vor.u32 s30, v21;
	v58 =	vld.idx.msk [tilespmem:v54+s3+$0x0], $0xffff;
	v56 =	vor.u32 v40, v0  }
0x40: {  	v60 =	vld.idx.msk [tilespmem:v47+s19+$0x0], $0xffff;
	v55 =	vadd.s32 v39, v0;
	v0 =	vor.u32 v0, v43  }
0x41: {  	v47 =	vld.idx.msk [tilespmem:v1+s3+$0x0], $0xffff  }
0x42: {  	v63 =	vld.idx.msk [tilespmem:v63+s3+$0x0], $0xffff  }
0x43: {  	v61 =	vld.idx.msk [tilespmem:v48+s19+$0x0], $0xffff  }
0x44: {  	v56 =	vld.idx.msk [tilespmem:v56+s19+$0x0], $0xffff  }
0x45: {  	v3 =	vld.idx.msk [tilespmem:v0+s19+$0x0], $0xffff  }
0x46: {  	v55 =	vld.idx.msk [tilespmem:v55+s19+$0x0], $0xffff  }
0x47: {  	v59 =	vld.idx.msk [tilespmem:v59+s3+$0x0], $0xffff  }
0x48: {  	v48 =	vld.idx.msk [tilespmem:v2+s3+$0x0], $0xffff  }
0x49: {  	v60 =	vld.idx.msk [tilespmem:v60+s3+$0x0], $0xffff  }
0x4a: {  	v0 =	vld.idx.msk [tilespmem:v62+s3+$0x0], $0xffff  }
0x4b: {  	v61 =	vld.idx.msk [tilespmem:v61+s3+$0x0], $0xffff  }
0x4c: {  	v2 =	vld.idx.msk [tilespmem:v56+s3+$0x0], $0xffff  }
0x4d: {  	v46 =	vadd.s32 $0x14, v46;
	v52 =	vimm.f32 $0.0e+00;
	v1 =	vld.idx.msk [tilespmem:v3+s3+$0x0], $0xffff  }
0x4e: {  	s31 =	simm.s32 $0x0;
	v54 =	vimm.f32 $0.0e+00;
	v62 =	vld.idx.msk [tilespmem:v55+s3+$0x0], $0xffff;
	v55 =	vimm.f32 $0.0e+00;
	v56 =	vimm.f32 $0.0e+00  }
.LBB2_3:
0x4f: {  	v3 =	vshll.u32 v46, $0x7;
	v51 =	vld.idx.msk [tilespmem:v51+s3+$0x0], $0xffff  }
0x50: {  	v4 =	vadd.s32 v22, v3;
	v53 =	vld.idx.msk [tilespmem:v53+s3+$0x0], $0xffff  }
0x51: {  	v2 =	vadd.f32 v2, v52;
	v0 =	vadd.f32 v0, v56;
	v5 =	vadd.s32 v23, v3;
	v45 =	vld.idx.msk [tilespmem:v45+s3+$0x0], $0xffff  }
0x52: {  	v52 =	vadd.s32 v24, v3;
	v54 =	vadd.f32 v63, v54;
	v1 =	vadd.f32 v1, v55;
	v44 =	vld.idx.msk [tilespmem:v44+s3+$0x0], $0xffff  }
0x53: {  	v55 =	vadd.s32 v25, v3;
	v2 =	vadd.f32 v59, v2;
	v0 =	vadd.f32 v60, v0;
	v59 =	vld.idx.msk [tilespmem:v33+s3+$0x0], $0xffff  }
0x54: {  	v56 =	vadd.s32 v26, v3;
	v33 =	vadd.f32 v61, v54;
	v1 =	vadd.f32 v62, v1;
	v60 =	vld.idx.msk [tilespmem:v34+s3+$0x0], $0xffff  }
0x55: {  	v54 =	vadd.s32 v27, v3;
	v2 =	vadd.f32 v57, v2;
	v0 =	vadd.f32 v58, v0;
	v4 =	vld.idx.msk [tilespmem:v4+s19+$0x0], $0xffff  }
0x56: {  	v57 =	vadd.s32 v28, v3;
	v51 =	vadd.f32 v51, v33;
	v1 =	vadd.f32 v53, v1;
	v5 =	vld.idx.msk [tilespmem:v5+s19+$0x0], $0xffff  }
0x57: {  	v53 =	vadd.s32 v29, v3;
	v2 =	vadd.f32 v49, v2;
	v0 =	vadd.f32 v50, v0;
	v33 =	vld.idx.msk [tilespmem:v52+s19+$0x0], $0xffff  }
0x58: {  	v49 =	vadd.s32 v30, v3;
	v45 =	vadd.f32 v45, v51;
	v1 =	vadd.f32 v44, v1;
	v34 =	vld.idx.msk [tilespmem:v55+s19+$0x0], $0xffff  }
0x59: {  	v50 =	vadd.s32 v31, v3;
	v52 =	vadd.f32 v47, v2;
	v58 =	vld.idx.msk [tilespmem:v56+s19+$0x0], $0xffff;
	v56 =	vadd.f32 v48, v0  }
0x5a: {  	v0 =	vadd.s32 v32, v3;
	v55 =	vadd.f32 v60, v1;
	v2 =	vld.idx.msk [tilespmem:v54+s19+$0x0], $0xffff;
	v54 =	vadd.f32 v59, v45  }
0x5b: {  	v1 =	vadd.s32 v35, v3;
	v45 =	vld.idx.msk [tilespmem:v57+s19+$0x0], $0xffff  }
0x5c: {  	v47 =	vadd.s32 v36, v3;
	v44 =	vld.idx.msk [tilespmem:v53+s19+$0x0], $0xffff  }
0x5d: {  	v48 =	vadd.s32 v37, v3;
	v57 =	vld.idx.msk [tilespmem:v49+s19+$0x0], $0xffff  }
0x5e: {  	v49 =	vadd.s32 v38, v3;
	v59 =	vld.idx.msk [tilespmem:v50+s19+$0x0], $0xffff  }
0x5f: {  	v50 =	vadd.s32 v39, v3;
	v51 =	vld.idx.msk [tilespmem:v0+s19+$0x0], $0xffff  }
0x60: {  	v0 =	vor.u32 v40, v3;
	v53 =	vld.idx.msk [tilespmem:v1+s19+$0x0], $0xffff  }
0x61: {  	v1 =	vor.u32 v3, v41;
	v60 =	vld.idx.msk [tilespmem:v47+s19+$0x0], $0xffff  }
0x62: {  	v47 =	vor.u32 v3, v42;
	v61 =	vld.idx.msk [tilespmem:v48+s19+$0x0], $0xffff  }
0x63: {  	v3 =	vor.u32 v3, v43;
	v62 =	vld.idx.msk [tilespmem:v49+s19+$0x0], $0xffff  }
0x64: {  	v6 =	vld.idx.msk [tilespmem:v50+s19+$0x0], $0xffff  }
0x65: {  	v0 =	vld.idx.msk [tilespmem:v0+s19+$0x0], $0xffff  }
0x66: {  	s31 =	sadd.s32 $0x5, s31;
	v1 =	vld.idx.msk [tilespmem:v1+s19+$0x0], $0xffff  }
0x67: {  	p0 =	slt.u32 s31, $0x2D;
	v63 =	vld.idx.msk [tilespmem:v47+s19+$0x0], $0xffff  }
0x68: {  	v3 =	vld.idx.msk [tilespmem:v3+s19+$0x0], $0xffff  }
0x69: {  	v47 =	vld.idx.msk [tilespmem:v4+s3+$0x0], $0xffff  }
0x6a: {  	v48 =	vld.idx.msk [tilespmem:v5+s3+$0x0], $0xffff  }
0x6b: {  	v49 =	vld.idx.msk [tilespmem:v58+s3+$0x0], $0xffff  }
0x6c: {  	v50 =	vld.idx.msk [tilespmem:v2+s3+$0x0], $0xffff  }
0x6d: {  	v57 =	vld.idx.msk [tilespmem:v57+s3+$0x0], $0xffff  }
0x6e: {  	v58 =	vld.idx.msk [tilespmem:v59+s3+$0x0], $0xffff  }
0x6f: {  	v59 =	vld.idx.msk [tilespmem:v60+s3+$0x0], $0xffff  }
0x70: {  	v60 =	vld.idx.msk [tilespmem:v61+s3+$0x0], $0xffff  }
0x71: {  	v2 =	vld.idx.msk [tilespmem:v0+s3+$0x0], $0xffff  }
.Ltmp0:
0x72: {  	v0 =	vld.idx.msk [tilespmem:v1+s3+$0x0], $0xffff;
	(pc) =	sbr.rel @p0 .LBB2_3-.Ltmp0, $4  }
0x73: {  	v63 =	vld.idx.msk [tilespmem:v63+s3+$0x0], $0xffff  }
0x74: {  	v1 =	vld.idx.msk [tilespmem:v3+s3+$0x0], $0xffff  }
0x75: {  	v61 =	vld.idx.msk [tilespmem:v62+s3+$0x0], $0xffff  }
0x76: {  	v46 =	vadd.s32 $0x14, v46;
	v62 =	vld.idx.msk [tilespmem:v6+s3+$0x0], $0xffff  }
0x77: {  	_ =	sdelay $0x3  }
0x78: {  	v3 =	vld.idx.msk [tilespmem:v51+s3+$0x0], $0xffff  }
0x79: {  	v4 =	vld.idx.msk [tilespmem:v53+s3+$0x0], $0xffff;
	v2 =	vadd.f32 v2, v52;
	v0 =	vadd.f32 v0, v56  }
0x7a: {  	v5 =	vld.idx.msk [tilespmem:v45+s3+$0x0], $0xffff;
	v6 =	vadd.f32 v63, v54;
	v1 =	vadd.f32 v1, v55  }
0x7b: {  	v22 =	vld.idx.msk [tilespmem:v44+s3+$0x0], $0xffff;
	v2 =	vadd.f32 v59, v2;
	v0 =	vadd.f32 v60, v0  }
0x7c: {  	v23 =	vld.idx.msk [tilespmem:v33+s3+$0x0], $0xffff;
	v6 =	vadd.f32 v61, v6;
	v1 =	vadd.f32 v62, v1  }
0x7d: {  	v24 =	vld.idx.msk [tilespmem:v34+s3+$0x0], $0xffff;
	v2 =	vadd.f32 v57, v2;
	v0 =	vadd.f32 v58, v0  }
0x7e: {  	v3 =	vadd.f32 v3, v6;
	v1 =	vadd.f32 v4, v1  }
0x7f: {  	v2 =	vadd.f32 v49, v2;
	v0 =	vadd.f32 v50, v0  }
0x80: {  	v3 =	vadd.f32 v5, v3;
	v1 =	vadd.f32 v22, v1  }
0x81: {  	v2 =	vadd.f32 v47, v2;
	v0 =	vadd.f32 v48, v0  }
0x82: {  	v3 =	vadd.f32 v23, v3;
	v1 =	vadd.f32 v24, v1;
	_ =	sdelay $0x1  }
0x83: {  	v0 =	vadd.f32 v0, v2;
	v1 =	vadd.f32 v1, v3;
	_ =	sdelay $0x1  }
0x84: {  	v0 =	vadd.f32 v1, v0;
	_ =	sdelay $0x1  }
0x85: {  	v0 =	vmul.f32 $4.999999890e-03, v0;
	_ =	sdelay $0x1  }
0x86: {  	v0 =	vmul.f32 $1.442695020e+00, v0;
	_ =	sdelay $0x1  }
0x87: {  	(erf) = vpow2.f32 v0;
	_ =	sdelay $0x8  }
0x88: {  	v0 =	vpop (erf)  }
0x89: {  	v0 =	vadd.f32 $1.000000000e+00, v0;
	_ =	sdelay $0x1  }
0x8a: {  	(erf) = vrcp.f32 v0;
	_ =	sdelay $0x5  }
0x8b: {  	s29 =	sadd.s32 $0x1, s29  }
0x8c: {  	p0 =	sne.s32 s29, $0x8  }
.Ltmp1:
0x8d: {  	_ = 	snop;
	(pc) =	sbr.rel @p0 .LBB2_2-.Ltmp1, $4  }
0x8e: {  	v0 =	vpop (erf)  }
0x8f: {  	v63 =	vsub.f32 $1.000000000e+00, v0  }
0x90: {  	[tilespmem:s30+$0x13D80] =	vst v0  }
0x91: {  	[tilespmem:s30+$0x13E00] =	vst v63  }
0x92: {  	s29 =	simm.s32 $0x0  }
0x93: {  	[hbm4b:s6+s29] =	stream.linear.scatter [tilespmem:s23], [sflag:$0x4], $0x80, $0x38;
	[tilespmem:$0x13E80] =	vst v63  }
0x94: {  	_ =	swait.ge [sflag:s24], $0x80  }
0x95: {  	[sflag:s24] =	ssyncset.done $0x0  }
0x96: {  	[sflag:s24] =	ssyncadd.s32 $0xFFFFFF80  }
0x97: {  	[hbm4b:s7+s29] =	stream.linear.scatter [tilespmem:s25], [sflag:$0x4], $0x80, $0x38;
	[tilespmem:$0x13E80] =	vst v63  }
0x98: {  	_ =	swait.ge [sflag:s24], $0x80  }
0x99: {  	[sflag:s24] =	ssyncset.done $0x0  }
0x9a: {  	[sflag:s24] =	ssyncadd.s32 $0xFFFFFF80  }
0x9b: {  	_ =	swait.ge [sflag:s26], $0x6400  }
0x9c: {  	[sflag:s26] =	ssyncset.done $0x0  }
0x9d: {  	[sflag:s26] =	ssyncadd.s32 $0xFFFF9C00  }
0x9e: {  	[tilespmem:s19], [sflag:$0x2] =	stream.strided.gather [hbm4b:s8+s17], $0x6400, s18, s17, $0x38;
	[tilespmem:$0x13E80] =	vst v63  }
.LBB2_6:
0x9f: {  	s30 =	sshll.u32 s29, $0x4;
	v3 =	vimm.s32 $0x0  }
0xa0: {  	v7 =	vld [tilespmem:$0x1FFE0];
	v22 =	vadd.s32 s30, v15;
	v0 =	vshll.u32 v3, $0x7  }
0xa1: {  	v56 =	vld [tilespmem:$0x1FFF0];
	v23 =	vadd.s32 s30, v16;
	v1 =	vadd.s32 v22, v0  }
0xa2: {  	v59 =	vld [tilespmem:$0x1FFA0];
	v24 =	vadd.s32 s30, v17;
	v2 =	vadd.s32 v23, v0  }
0xa3: {  	v60 =	vld [tilespmem:$0x1FFB0];
	v25 =	vadd.s32 s30, v18;
	v4 =	vadd.s32 v24, v0  }
0xa4: {  	v61 =	vld [tilespmem:$0x1FFC0];
	v26 =	vadd.s32 s30, v11;
	v5 =	vadd.s32 v25, v0  }
0xa5: {  	v62 =	vld [tilespmem:$0x1FFD0];
	v27 =	vadd.s32 s30, v12;
	v6 =	vadd.s32 v26, v0  }
0xa6: {  	v28 =	vadd.s32 s30, v13;
	v36 =	vadd.s32 v27, v0;
	v1 =	vld.idx.msk [tilespmem:v1+s22+$0x0], $0xffff  }
0xa7: {  	v29 =	vadd.s32 s30, v14;
	v37 =	vadd.s32 v28, v0;
	v2 =	vld.idx.msk [tilespmem:v2+s22+$0x0], $0xffff  }
0xa8: {  	v32 =	vadd.s32 s30, v9;
	v38 =	vadd.s32 v29, v0;
	v33 =	vld.idx.msk [tilespmem:v4+s22+$0x0], $0xffff  }
0xa9: {  	v63 =	vlaneseq.u32;
	v35 =	vadd.s32 s30, v10;
	v41 =	vadd.s32 v32, v0;
	v34 =	vld.idx.msk [tilespmem:v5+s22+$0x0], $0xffff  }
0xaa: {  	v40 =	vor.u32 s30, v63;
	v42 =	vadd.s32 v35, v0;
	v6 =	vld.idx.msk [tilespmem:v6+s22+$0x0], $0xffff  }
0xab: {  	v50 =	vor.u32 v40, v0;
	v30 =	vadd.s32 s30, v7;
	v46 =	vld.idx.msk [tilespmem:v36+s22+$0x0], $0xffff  }
0xac: {  	v31 =	vadd.s32 s30, v56;
	v57 =	vadd.s32 v30, v0;
	v45 =	vld.idx.msk [tilespmem:v37+s22+$0x0], $0xffff  }
0xad: {  	v39 =	vadd.s32 s30, v62;
	v58 =	vadd.s32 v31, v0;
	v44 =	vld.idx.msk [tilespmem:v38+s22+$0x0], $0xffff  }
0xae: {  	v49 =	vadd.s32 v39, v0;
	v36 =	vadd.s32 s30, v59;
	v51 =	vld.idx.msk [tilespmem:v41+s22+$0x0], $0xffff  }
0xaf: {  	v37 =	vadd.s32 s30, v60;
	v53 =	vld.idx.msk [tilespmem:v42+s22+$0x0], $0xffff;
	v43 =	vadd.s32 v36, v0  }
0xb0: {  	v38 =	vadd.s32 s30, v61;
	v63 =	vld.idx.msk [tilespmem:v50+s22+$0x0], $0xffff;
	v47 =	vadd.s32 v37, v0  }
0xb1: {  	v41 =	vor.u32 s30, v19;
	v48 =	vadd.s32 v38, v0;
	v4 =	vld.idx.msk [tilespmem:v57+s22+$0x0], $0xffff  }
0xb2: {  	v42 =	vor.u32 s30, v20;
	v52 =	vor.u32 v0, v41;
	v5 =	vld.idx.msk [tilespmem:v58+s22+$0x0], $0xffff  }
0xb3: {  	v55 =	vor.u32 v0, v42;
	v62 =	vld.idx.msk [tilespmem:v49+s22+$0x0], $0xffff  }
0xb4: {  	v54 =	vld.idx.msk [tilespmem:v43+s22+$0x0], $0xffff  }
0xb5: {  	v56 =	vld.idx.msk [tilespmem:v47+s22+$0x0], $0xffff  }
0xb6: {  	v61 =	vld.idx.msk [tilespmem:v48+s22+$0x0], $0xffff  }
0xb7: {  	v52 =	vld.idx.msk [tilespmem:v52+s22+$0x0], $0xffff  }
0xb8: {  	v43 =	vor.u32 s30, v21;
	v55 =	vld.idx.msk [tilespmem:v55+s22+$0x0], $0xffff  }
0xb9: {  	v0 =	vor.u32 v0, v43;
	v47 =	vld.idx.msk [tilespmem:v1+s3+$0x0], $0xffff  }
0xba: {  	v48 =	vld.idx.msk [tilespmem:v2+s3+$0x0], $0xffff  }
0xbb: {  	v49 =	vld.idx.msk [tilespmem:v6+s3+$0x0], $0xffff  }
0xbc: {  	v50 =	vld.idx.msk [tilespmem:v46+s3+$0x0], $0xffff  }
0xbd: {  	v2 =	vld.idx.msk [tilespmem:v63+s3+$0x0], $0xffff  }
0xbe: {  	v7 =	vld.idx.msk [tilespmem:v0+s22+$0x0], $0xffff  }
0xbf: {  	v57 =	vld.idx.msk [tilespmem:v4+s3+$0x0], $0xffff  }
0xc0: {  	v58 =	vld.idx.msk [tilespmem:v5+s3+$0x0], $0xffff  }
0xc1: {  	v62 =	vld.idx.msk [tilespmem:v62+s3+$0x0], $0xffff  }
0xc2: {  	v59 =	vld.idx.msk [tilespmem:v54+s3+$0x0], $0xffff  }
0xc3: {  	v60 =	vld.idx.msk [tilespmem:v56+s3+$0x0], $0xffff  }
0xc4: {  	v0 =	vld.idx.msk [tilespmem:v52+s3+$0x0], $0xffff  }
0xc5: {  	v63 =	vld.idx.msk [tilespmem:v55+s3+$0x0], $0xffff  }
0xc6: {  	v46 =	vadd.s32 $0x14, v3;
	v52 =	vimm.f32 $0.0e+00;
	v1 =	vld.idx.msk [tilespmem:v7+s3+$0x0], $0xffff  }
0xc7: {  	s31 =	simm.s32 $0x0;
	v61 =	vld.idx.msk [tilespmem:v61+s3+$0x0], $0xffff;
	v56 =	vimm.f32 $0.0e+00;
	v54 =	vimm.f32 $0.0e+00;
	v55 =	vimm.f32 $0.0e+00  }
.LBB2_7:
0xc8: {  	v3 =	vshll.u32 v46, $0x7;
	v4 =	vld.idx.msk [tilespmem:v51+s3+$0x0], $0xffff  }
0xc9: {  	v5 =	vadd.s32 v22, v3;
	v6 =	vld.idx.msk [tilespmem:v53+s3+$0x0], $0xffff  }
0xca: {  	v2 =	vadd.f32 v2, v52;
	v0 =	vadd.f32 v0, v56;
	v7 =	vadd.s32 v23, v3;
	v45 =	vld.idx.msk [tilespmem:v45+s3+$0x0], $0xffff  }
0xcb: {  	v51 =	vadd.s32 v24, v3;
	v52 =	vadd.f32 v63, v54;
	v1 =	vadd.f32 v1, v55;
	v44 =	vld.idx.msk [tilespmem:v44+s3+$0x0], $0xffff  }
0xcc: {  	v53 =	vadd.s32 v25, v3;
	v2 =	vadd.f32 v59, v2;
	v0 =	vadd.f32 v60, v0;
	v54 =	vld.idx.msk [tilespmem:v33+s3+$0x0], $0xffff  }
0xcd: {  	v55 =	vadd.s32 v26, v3;
	v33 =	vadd.f32 v61, v52;
	v1 =	vadd.f32 v62, v1;
	v59 =	vld.idx.msk [tilespmem:v34+s3+$0x0], $0xffff  }
0xce: {  	v60 =	vadd.s32 v27, v3;
	v2 =	vadd.f32 v57, v2;
	v0 =	vadd.f32 v58, v0;
	v5 =	vld.idx.msk [tilespmem:v5+s22+$0x0], $0xffff  }
0xcf: {  	v57 =	vadd.s32 v28, v3;
	v4 =	vadd.f32 v4, v33;
	v1 =	vadd.f32 v6, v1;
	v7 =	vld.idx.msk [tilespmem:v7+s22+$0x0], $0xffff  }
0xd0: {  	v6 =	vadd.s32 v29, v3;
	v2 =	vadd.f32 v49, v2;
	v0 =	vadd.f32 v50, v0;
	v33 =	vld.idx.msk [tilespmem:v51+s22+$0x0], $0xffff  }
0xd1: {  	v49 =	vadd.s32 v30, v3;
	v4 =	vadd.f32 v45, v4;
	v1 =	vadd.f32 v44, v1;
	v34 =	vld.idx.msk [tilespmem:v53+s22+$0x0], $0xffff  }
0xd2: {  	v50 =	vadd.s32 v31, v3;
	v52 =	vadd.f32 v47, v2;
	v56 =	vadd.f32 v48, v0;
	v58 =	vld.idx.msk [tilespmem:v55+s22+$0x0], $0xffff  }
0xd3: {  	v0 =	vadd.s32 v32, v3;
	v54 =	vadd.f32 v54, v4;
	v55 =	vadd.f32 v59, v1;
	v2 =	vld.idx.msk [tilespmem:v60+s22+$0x0], $0xffff  }
0xd4: {  	v1 =	vadd.s32 v35, v3;
	v45 =	vld.idx.msk [tilespmem:v57+s22+$0x0], $0xffff  }
0xd5: {  	v4 =	vadd.s32 v36, v3;
	v44 =	vld.idx.msk [tilespmem:v6+s22+$0x0], $0xffff  }
0xd6: {  	v6 =	vadd.s32 v37, v3;
	v57 =	vld.idx.msk [tilespmem:v49+s22+$0x0], $0xffff  }
0xd7: {  	v47 =	vadd.s32 v38, v3;
	v59 =	vld.idx.msk [tilespmem:v50+s22+$0x0], $0xffff  }
0xd8: {  	v48 =	vadd.s32 v39, v3;
	v51 =	vld.idx.msk [tilespmem:v0+s22+$0x0], $0xffff  }
0xd9: {  	v0 =	vor.u32 v40, v3;
	v53 =	vld.idx.msk [tilespmem:v1+s22+$0x0], $0xffff  }
0xda: {  	v1 =	vor.u32 v3, v41;
	v4 =	vld.idx.msk [tilespmem:v4+s22+$0x0], $0xffff  }
0xdb: {  	v49 =	vor.u32 v3, v42;
	v6 =	vld.idx.msk [tilespmem:v6+s22+$0x0], $0xffff  }
0xdc: {  	v3 =	vor.u32 v3, v43;
	v61 =	vld.idx.msk [tilespmem:v47+s22+$0x0], $0xffff  }
0xdd: {  	v62 =	vld.idx.msk [tilespmem:v48+s22+$0x0], $0xffff  }
0xde: {  	v0 =	vld.idx.msk [tilespmem:v0+s22+$0x0], $0xffff  }
0xdf: {  	s31 =	sadd.s32 $0x5, s31;
	v1 =	vld.idx.msk [tilespmem:v1+s22+$0x0], $0xffff  }
0xe0: {  	p0 =	slt.u32 s31, $0x2D;
	v63 =	vld.idx.msk [tilespmem:v49+s22+$0x0], $0xffff  }
0xe1: {  	v3 =	vld.idx.msk [tilespmem:v3+s22+$0x0], $0xffff  }
0xe2: {  	v47 =	vld.idx.msk [tilespmem:v5+s3+$0x0], $0xffff  }
0xe3: {  	v48 =	vld.idx.msk [tilespmem:v7+s3+$0x0], $0xffff  }
0xe4: {  	v49 =	vld.idx.msk [tilespmem:v58+s3+$0x0], $0xffff  }
0xe5: {  	v50 =	vld.idx.msk [tilespmem:v2+s3+$0x0], $0xffff  }
0xe6: {  	v57 =	vld.idx.msk [tilespmem:v57+s3+$0x0], $0xffff  }
0xe7: {  	v58 =	vld.idx.msk [tilespmem:v59+s3+$0x0], $0xffff  }
0xe8: {  	v59 =	vld.idx.msk [tilespmem:v4+s3+$0x0], $0xffff  }
0xe9: {  	v60 =	vld.idx.msk [tilespmem:v6+s3+$0x0], $0xffff  }
0xea: {  	v2 =	vld.idx.msk [tilespmem:v0+s3+$0x0], $0xffff  }
.Ltmp2:
0xeb: {  	v0 =	vld.idx.msk [tilespmem:v1+s3+$0x0], $0xffff;
	(pc) =	sbr.rel @p0 .LBB2_7-.Ltmp2, $4  }
0xec: {  	v63 =	vld.idx.msk [tilespmem:v63+s3+$0x0], $0xffff  }
0xed: {  	v1 =	vld.idx.msk [tilespmem:v3+s3+$0x0], $0xffff  }
0xee: {  	v61 =	vld.idx.msk [tilespmem:v61+s3+$0x0], $0xffff  }
0xef: {  	v46 =	vadd.s32 $0x14, v46;
	v62 =	vld.idx.msk [tilespmem:v62+s3+$0x0], $0xffff  }
0xf0: {  	_ =	sdelay $0x3  }
0xf1: {  	v3 =	vld.idx.msk [tilespmem:v51+s3+$0x0], $0xffff  }
0xf2: {  	v4 =	vld.idx.msk [tilespmem:v53+s3+$0x0], $0xffff;
	v2 =	vadd.f32 v2, v52;
	v0 =	vadd.f32 v0, v56  }
0xf3: {  	v5 =	vld.idx.msk [tilespmem:v45+s3+$0x0], $0xffff;
	v6 =	vadd.f32 v63, v54;
	v1 =	vadd.f32 v1, v55  }
0xf4: {  	v7 =	vld.idx.msk [tilespmem:v44+s3+$0x0], $0xffff;
	v2 =	vadd.f32 v59, v2;
	v0 =	vadd.f32 v60, v0  }
0xf5: {  	v22 =	vld.idx.msk [tilespmem:v33+s3+$0x0], $0xffff;
	v6 =	vadd.f32 v61, v6;
	v1 =	vadd.f32 v62, v1  }
0xf6: {  	v23 =	vld.idx.msk [tilespmem:v34+s3+$0x0], $0xffff;
	v2 =	vadd.f32 v57, v2;
	v0 =	vadd.f32 v58, v0  }
0xf7: {  	v3 =	vadd.f32 v3, v6;
	v1 =	vadd.f32 v4, v1  }
0xf8: {  	v2 =	vadd.f32 v49, v2;
	v0 =	vadd.f32 v50, v0  }
0xf9: {  	v3 =	vadd.f32 v5, v3;
	v1 =	vadd.f32 v7, v1  }
0xfa: {  	v2 =	vadd.f32 v47, v2;
	v0 =	vadd.f32 v48, v0  }
0xfb: {  	v3 =	vadd.f32 v22, v3;
	v1 =	vadd.f32 v23, v1;
	_ =	sdelay $0x1  }
0xfc: {  	v0 =	vadd.f32 v0, v2;
	v1 =	vadd.f32 v1, v3;
	_ =	sdelay $0x1  }
0xfd: {  	v0 =	vadd.f32 v1, v0;
	_ =	sdelay $0x1  }
0xfe: {  	v0 =	vmul.f32 $4.999999890e-03, v0;
	_ =	sdelay $0x1  }
0xff: {  	v0 =	vmul.f32 $1.442695020e+00, v0;
	_ =	sdelay $0x1  }
0x100: {  	(erf) = vpow2.f32 v0;
	_ =	sdelay $0x8  }
0x101: {  	v0 =	vpop (erf)  }
0x102: {  	v0 =	vadd.f32 $1.000000000e+00, v0;
	_ =	sdelay $0x1  }
0x103: {  	(erf) = vrcp.f32 v0;
	_ =	sdelay $0x5  }
0x104: {  	s29 =	sadd.s32 $0x1, s29  }
0x105: {  	p0 =	sne.s32 s29, $0x8  }
.Ltmp3:
0x106: {  	_ = 	snop;
	(pc) =	sbr.rel @p0 .LBB2_6-.Ltmp3, $4  }
0x107: {  	v0 =	vpop (erf)  }
0x108: {  	v63 =	vsub.f32 $1.000000000e+00, v0  }
0x109: {  	[tilespmem:s30+$0x13D80] =	vst v0  }
0x10a: {  	[tilespmem:s30+$0x13E00] =	vst v63  }
0x10b: {  	s29 =	simm.s32 $0x0  }
0x10c: {  	[hbm4b:s9+s29] =	stream.linear.scatter [tilespmem:s23], [sflag:$0x4], $0x80, $0x38;
	[tilespmem:$0x13E80] =	vst v63  }
0x10d: {  	_ =	swait.ge [sflag:s24], $0x80  }
0x10e: {  	[sflag:s24] =	ssyncset.done $0x0  }
0x10f: {  	[sflag:s24] =	ssyncadd.s32 $0xFFFFFF80  }
0x110: {  	[hbm4b:s10+s29] =	stream.linear.scatter [tilespmem:s25], [sflag:$0x4], $0x80, $0x38;
	[tilespmem:$0x13E80] =	vst v63  }
0x111: {  	_ =	swait.ge [sflag:s24], $0x80  }
0x112: {  	[sflag:s24] =	ssyncset.done $0x0  }
0x113: {  	[sflag:s24] =	ssyncadd.s32 $0xFFFFFF80  }
0x114: {  	_ =	swait.ge [sflag:s21], $0x6400  }
0x115: {  	[sflag:s21] =	ssyncset.done $0x0  }
0x116: {  	[sflag:s21] =	ssyncadd.s32 $0xFFFF9C00  }
0x117: {  	[tilespmem:s22], [sflag:$0x3] =	stream.strided.gather [hbm4b:s11+s17], $0x6400, s18, s17, $0x38;
	[tilespmem:$0x13E80] =	vst v63  }
.LBB2_10:
0x118: {  	s30 =	sshll.u32 s29, $0x4;
	v3 =	vimm.s32 $0x0  }
0x119: {  	v8 =	vld [tilespmem:$0x1FFE0];
	v22 =	vadd.s32 s30, v15;
	v0 =	vshll.u32 v3, $0x7  }
0x11a: {  	v23 =	vadd.s32 s30, v16;
	v1 =	vadd.s32 v22, v0  }
0x11b: {  	v24 =	vadd.s32 s30, v17;
	v2 =	vadd.s32 v23, v0  }
0x11c: {  	v25 =	vadd.s32 s30, v18;
	v4 =	vadd.s32 v24, v0  }
0x11d: {  	v61 =	vld [tilespmem:$0x1FFF0];
	v5 =	vadd.s32 v25, v0  }
0x11e: {  	v27 =	vadd.s32 s30, v12;
	v30 =	vadd.s32 s30, v8;
	v8 =	vld [tilespmem:$0x1FFA0]  }
0x11f: {  	v28 =	vadd.s32 s30, v13;
	v7 =	vadd.s32 v27, v0;
	v1 =	vld.idx.msk [tilespmem:v1+s19+$0x0], $0xffff  }
0x120: {  	v35 =	vadd.s32 s30, v10;
	v37 =	vadd.s32 v28, v0;
	v2 =	vld.idx.msk [tilespmem:v2+s19+$0x0], $0xffff  }
0x121: {  	v29 =	vadd.s32 s30, v14;
	v42 =	vadd.s32 v35, v0;
	v33 =	vld.idx.msk [tilespmem:v4+s19+$0x0], $0xffff  }
0x122: {  	v38 =	vadd.s32 v29, v0;
	v34 =	vld.idx.msk [tilespmem:v5+s19+$0x0], $0xffff  }
0x123: {  	v32 =	vadd.s32 s30, v9;
	v36 =	vadd.s32 s30, v8;
	v8 =	vld [tilespmem:$0x1FFB0]  }
0x124: {  	v41 =	vadd.s32 v32, v0;
	v7 =	vld.idx.msk [tilespmem:v7+s19+$0x0], $0xffff  }
0x125: {  	v31 =	vadd.s32 s30, v61;
	v62 =	vadd.s32 v30, v0;
	v45 =	vld.idx.msk [tilespmem:v37+s19+$0x0], $0xffff  }
0x126: {  	v63 =	vadd.s32 v31, v0;
	v53 =	vld.idx.msk [tilespmem:v42+s19+$0x0], $0xffff;
	v42 =	vor.u32 s30, v20  }
0x127: {  	v44 =	vld.idx.msk [tilespmem:v38+s19+$0x0], $0xffff;
	v54 =	vor.u32 v0, v42  }
0x128: {  	v37 =	vadd.s32 s30, v8;
	v8 =	vld [tilespmem:$0x1FFC0]  }
0x129: {  	v26 =	vadd.s32 s30, v11;
	v51 =	vld.idx.msk [tilespmem:v41+s19+$0x0], $0xffff;
	v43 =	vadd.s32 v36, v0  }
0x12a: {  	v6 =	vadd.s32 v26, v0;
	v41 =	vor.u32 s30, v19;
	v4 =	vld.idx.msk [tilespmem:v62+s19+$0x0], $0xffff  }
0x12b: {  	v50 =	vor.u32 v0, v41;
	v5 =	vld.idx.msk [tilespmem:v63+s19+$0x0], $0xffff  }
0x12c: {  	v54 =	vld.idx.msk [tilespmem:v54+s19+$0x0], $0xffff  }
0x12d: {  	v38 =	vadd.s32 s30, v8;
	v8 =	vld [tilespmem:$0x1FFD0]  }
0x12e: {  	v52 =	vld.idx.msk [tilespmem:v43+s19+$0x0], $0xffff  }
0x12f: {  	v6 =	vld.idx.msk [tilespmem:v6+s19+$0x0], $0xffff;
	v46 =	vadd.s32 v37, v0  }
0x130: {  	v62 =	vld.idx.msk [tilespmem:v50+s19+$0x0], $0xffff  }
0x131: {  	v50 =	vld.idx.msk [tilespmem:v7+s3+$0x0], $0xffff  }
0x132: {  	v57 =	vld.idx.msk [tilespmem:v4+s3+$0x0], $0xffff;
	v47 =	vadd.s32 v38, v0;
	v39 =	vadd.s32 s30, v8;
	v8 =	vlaneseq.u32  }
0x133: {  	v58 =	vld.idx.msk [tilespmem:v5+s3+$0x0], $0xffff;
	v40 =	vor.u32 s30, v8;
	v48 =	vadd.s32 v39, v0  }
0x134: {  	v43 =	vor.u32 s30, v21;
	v46 =	vld.idx.msk [tilespmem:v46+s19+$0x0], $0xffff;
	v49 =	vor.u32 v40, v0  }
0x135: {  	v63 =	vld.idx.msk [tilespmem:v54+s3+$0x0], $0xffff;
	v0 =	vor.u32 v0, v43  }
0x136: {  	v59 =	vld.idx.msk [tilespmem:v52+s3+$0x0], $0xffff  }
0x137: {  	v55 =	vld.idx.msk [tilespmem:v47+s19+$0x0], $0xffff  }
0x138: {  	v56 =	vld.idx.msk [tilespmem:v48+s19+$0x0], $0xffff  }
0x139: {  	v61 =	vld.idx.msk [tilespmem:v49+s19+$0x0], $0xffff  }
0x13a: {  	v8 =	vld.idx.msk [tilespmem:v0+s19+$0x0], $0xffff  }
0x13b: {  	v47 =	vld.idx.msk [tilespmem:v1+s3+$0x0], $0xffff  }
0x13c: {  	v60 =	vld.idx.msk [tilespmem:v46+s3+$0x0], $0xffff  }
0x13d: {  	v48 =	vld.idx.msk [tilespmem:v2+s3+$0x0], $0xffff  }
0x13e: {  	v49 =	vld.idx.msk [tilespmem:v6+s3+$0x0], $0xffff  }
0x13f: {  	v0 =	vld.idx.msk [tilespmem:v62+s3+$0x0], $0xffff  }
0x140: {  	v62 =	vld.idx.msk [tilespmem:v56+s3+$0x0], $0xffff  }
0x141: {  	v2 =	vld.idx.msk [tilespmem:v61+s3+$0x0], $0xffff  }
0x142: {  	v54 =	vimm.f32 $0.0e+00;
	v52 =	vimm.f32 $0.0e+00;
	v1 =	vld.idx.msk [tilespmem:v8+s3+$0x0], $0xffff  }
0x143: {  	s31 =	simm.s32 $0x0;
	v46 =	vadd.s32 $0x14, v3;
	v56 =	vimm.f32 $0.0e+00;
	v61 =	vld.idx.msk [tilespmem:v55+s3+$0x0], $0xffff;
	v55 =	vimm.f32 $0.0e+00  }
.LBB2_11:
0x144: {  	v3 =	vshll.u32 v46, $0x7;
	v4 =	vld.idx.msk [tilespmem:v51+s3+$0x0], $0xffff  }
0x145: {  	v5 =	vadd.s32 v22, v3;
	v6 =	vld.idx.msk [tilespmem:v53+s3+$0x0], $0xffff  }
0x146: {  	v2 =	vadd.f32 v2, v52;
	v0 =	vadd.f32 v0, v56;
	v7 =	vadd.s32 v23, v3;
	v8 =	vld.idx.msk [tilespmem:v45+s3+$0x0], $0xffff  }
0x147: {  	v51 =	vadd.f32 v63, v54;
	v45 =	vadd.s32 v24, v3;
	v1 =	vadd.f32 v1, v55;
	v44 =	vld.idx.msk [tilespmem:v44+s3+$0x0], $0xffff  }
0x148: {  	v52 =	vadd.s32 v25, v3;
	v2 =	vadd.f32 v59, v2;
	v0 =	vadd.f32 v60, v0;
	v53 =	vld.idx.msk [tilespmem:v33+s3+$0x0], $0xffff  }
0x149: {  	v54 =	vadd.s32 v26, v3;
	v33 =	vadd.f32 v61, v51;
	v1 =	vadd.f32 v62, v1;
	v51 =	vld.idx.msk [tilespmem:v34+s3+$0x0], $0xffff  }
0x14a: {  	v55 =	vadd.s32 v27, v3;
	v2 =	vadd.f32 v57, v2;
	v0 =	vadd.f32 v58, v0;
	v5 =	vld.idx.msk [tilespmem:v5+s19+$0x0], $0xffff  }
0x14b: {  	v57 =	vadd.s32 v28, v3;
	v4 =	vadd.f32 v4, v33;
	v1 =	vadd.f32 v6, v1;
	v7 =	vld.idx.msk [tilespmem:v7+s19+$0x0], $0xffff  }
0x14c: {  	v6 =	vadd.s32 v29, v3;
	v2 =	vadd.f32 v49, v2;
	v0 =	vadd.f32 v50, v0;
	v33 =	vld.idx.msk [tilespmem:v45+s19+$0x0], $0xffff  }
0x14d: {  	v49 =	vadd.s32 v30, v3;
	v4 =	vadd.f32 v8, v4;
	v1 =	vadd.f32 v44, v1;
	v34 =	vld.idx.msk [tilespmem:v52+s19+$0x0], $0xffff  }
0x14e: {  	v8 =	vadd.s32 v31, v3;
	v56 =	vadd.f32 v48, v0;
	v52 =	vadd.f32 v47, v2;
	v50 =	vld.idx.msk [tilespmem:v54+s19+$0x0], $0xffff  }
0x14f: {  	v0 =	vadd.s32 v32, v3;
	v54 =	vadd.f32 v53, v4;
	v2 =	vld.idx.msk [tilespmem:v55+s19+$0x0], $0xffff;
	v55 =	vadd.f32 v51, v1  }
0x150: {  	v1 =	vadd.s32 v35, v3;
	v45 =	vld.idx.msk [tilespmem:v57+s19+$0x0], $0xffff  }
0x151: {  	v4 =	vadd.s32 v36, v3;
	v44 =	vld.idx.msk [tilespmem:v6+s19+$0x0], $0xffff  }
0x152: {  	v6 =	vadd.s32 v37, v3;
	v57 =	vld.idx.msk [tilespmem:v49+s19+$0x0], $0xffff  }
0x153: {  	v47 =	vadd.s32 v38, v3;
	v8 =	vld.idx.msk [tilespmem:v8+s19+$0x0], $0xffff  }
0x154: {  	v48 =	vadd.s32 v39, v3;
	v51 =	vld.idx.msk [tilespmem:v0+s19+$0x0], $0xffff  }
0x155: {  	v0 =	vor.u32 v40, v3;
	v53 =	vld.idx.msk [tilespmem:v1+s19+$0x0], $0xffff  }
0x156: {  	v1 =	vor.u32 v3, v41;
	v4 =	vld.idx.msk [tilespmem:v4+s19+$0x0], $0xffff  }
0x157: {  	v49 =	vor.u32 v3, v42;
	v6 =	vld.idx.msk [tilespmem:v6+s19+$0x0], $0xffff  }
0x158: {  	v3 =	vor.u32 v3, v43;
	v61 =	vld.idx.msk [tilespmem:v47+s19+$0x0], $0xffff  }
0x159: {  	v62 =	vld.idx.msk [tilespmem:v48+s19+$0x0], $0xffff  }
0x15a: {  	v0 =	vld.idx.msk [tilespmem:v0+s19+$0x0], $0xffff  }
0x15b: {  	s31 =	sadd.s32 $0x5, s31;
	v1 =	vld.idx.msk [tilespmem:v1+s19+$0x0], $0xffff  }
0x15c: {  	p0 =	slt.u32 s31, $0x2D;
	v63 =	vld.idx.msk [tilespmem:v49+s19+$0x0], $0xffff  }
0x15d: {  	v3 =	vld.idx.msk [tilespmem:v3+s19+$0x0], $0xffff  }
0x15e: {  	v47 =	vld.idx.msk [tilespmem:v5+s3+$0x0], $0xffff  }
0x15f: {  	v48 =	vld.idx.msk [tilespmem:v7+s3+$0x0], $0xffff  }
0x160: {  	v49 =	vld.idx.msk [tilespmem:v50+s3+$0x0], $0xffff  }
0x161: {  	v50 =	vld.idx.msk [tilespmem:v2+s3+$0x0], $0xffff  }
0x162: {  	v57 =	vld.idx.msk [tilespmem:v57+s3+$0x0], $0xffff  }
0x163: {  	v58 =	vld.idx.msk [tilespmem:v8+s3+$0x0], $0xffff  }
0x164: {  	v59 =	vld.idx.msk [tilespmem:v4+s3+$0x0], $0xffff  }
0x165: {  	v60 =	vld.idx.msk [tilespmem:v6+s3+$0x0], $0xffff  }
0x166: {  	v2 =	vld.idx.msk [tilespmem:v0+s3+$0x0], $0xffff  }
.Ltmp4:
0x167: {  	v0 =	vld.idx.msk [tilespmem:v1+s3+$0x0], $0xffff;
	(pc) =	sbr.rel @p0 .LBB2_11-.Ltmp4, $4  }
0x168: {  	v63 =	vld.idx.msk [tilespmem:v63+s3+$0x0], $0xffff  }
0x169: {  	v1 =	vld.idx.msk [tilespmem:v3+s3+$0x0], $0xffff  }
0x16a: {  	v61 =	vld.idx.msk [tilespmem:v61+s3+$0x0], $0xffff  }
0x16b: {  	v46 =	vadd.s32 $0x14, v46;
	v62 =	vld.idx.msk [tilespmem:v62+s3+$0x0], $0xffff  }
0x16c: {  	_ =	sdelay $0x3  }
0x16d: {  	v3 =	vld.idx.msk [tilespmem:v51+s3+$0x0], $0xffff  }
0x16e: {  	v4 =	vld.idx.msk [tilespmem:v53+s3+$0x0], $0xffff;
	v2 =	vadd.f32 v2, v52;
	v0 =	vadd.f32 v0, v56  }
0x16f: {  	v5 =	vld.idx.msk [tilespmem:v45+s3+$0x0], $0xffff;
	v6 =	vadd.f32 v63, v54;
	v1 =	vadd.f32 v1, v55  }
0x170: {  	v7 =	vld.idx.msk [tilespmem:v44+s3+$0x0], $0xffff;
	v2 =	vadd.f32 v59, v2;
	v0 =	vadd.f32 v60, v0  }
0x171: {  	v8 =	vld.idx.msk [tilespmem:v33+s3+$0x0], $0xffff;
	v6 =	vadd.f32 v61, v6;
	v1 =	vadd.f32 v62, v1  }
0x172: {  	v22 =	vld.idx.msk [tilespmem:v34+s3+$0x0], $0xffff;
	v2 =	vadd.f32 v57, v2;
	v0 =	vadd.f32 v58, v0  }
0x173: {  	v3 =	vadd.f32 v3, v6;
	v1 =	vadd.f32 v4, v1  }
0x174: {  	v2 =	vadd.f32 v49, v2;
	v0 =	vadd.f32 v50, v0  }
0x175: {  	v3 =	vadd.f32 v5, v3;
	v1 =	vadd.f32 v7, v1  }
0x176: {  	v2 =	vadd.f32 v47, v2;
	v0 =	vadd.f32 v48, v0  }
0x177: {  	v3 =	vadd.f32 v8, v3;
	v1 =	vadd.f32 v22, v1;
	_ =	sdelay $0x1  }
0x178: {  	v0 =	vadd.f32 v0, v2;
	v1 =	vadd.f32 v1, v3;
	_ =	sdelay $0x1  }
0x179: {  	v0 =	vadd.f32 v1, v0;
	_ =	sdelay $0x1  }
0x17a: {  	v0 =	vmul.f32 $4.999999890e-03, v0;
	_ =	sdelay $0x1  }
0x17b: {  	v0 =	vmul.f32 $1.442695020e+00, v0;
	_ =	sdelay $0x1  }
0x17c: {  	(erf) = vpow2.f32 v0;
	_ =	sdelay $0x8  }
0x17d: {  	v0 =	vpop (erf)  }
0x17e: {  	v0 =	vadd.f32 $1.000000000e+00, v0;
	_ =	sdelay $0x1  }
0x17f: {  	(erf) = vrcp.f32 v0;
	_ =	sdelay $0x5  }
0x180: {  	s29 =	sadd.s32 $0x1, s29  }
0x181: {  	p0 =	sne.s32 s29, $0x8  }
.Ltmp5:
0x182: {  	_ = 	snop;
	(pc) =	sbr.rel @p0 .LBB2_10-.Ltmp5, $4  }
0x183: {  	v0 =	vpop (erf)  }
0x184: {  	v63 =	vsub.f32 $1.000000000e+00, v0  }
0x185: {  	[tilespmem:s30+$0x13D80] =	vst v0  }
0x186: {  	[tilespmem:s30+$0x13E00] =	vst v63  }
0x187: {  	s29 =	simm.s32 $0x0  }
0x188: {  	[hbm4b:s12+s29] =	stream.linear.scatter [tilespmem:s23], [sflag:$0x4], $0x80, $0x38;
	[tilespmem:$0x13E80] =	vst v63  }
0x189: {  	_ =	swait.ge [sflag:s24], $0x80  }
0x18a: {  	[sflag:s24] =	ssyncset.done $0x0  }
0x18b: {  	[sflag:s24] =	ssyncadd.s32 $0xFFFFFF80  }
0x18c: {  	[hbm4b:s13+s29] =	stream.linear.scatter [tilespmem:s25], [sflag:$0x4], $0x80, $0x38;
	[tilespmem:$0x13E80] =	vst v63  }
0x18d: {  	_ =	swait.ge [sflag:s24], $0x80  }
0x18e: {  	[sflag:s24] =	ssyncset.done $0x0  }
0x18f: {  	[sflag:s24] =	ssyncadd.s32 $0xFFFFFF80  }
0x190: {  	_ =	swait.ge [sflag:s26], $0x6400  }
0x191: {  	[sflag:s26] =	ssyncset.done $0x0  }
0x192: {  	[sflag:s26] =	ssyncadd.s32 $0xFFFF9C00  }
.LBB2_14:
0x193: {  	s30 =	sshll.u32 s29, $0x4;
	v3 =	vimm.s32 $0x0  }
0x194: {  	v22 =	vadd.s32 s30, v15;
	v0 =	vshll.u32 v3, $0x7  }
0x195: {  	v30 =	vld [tilespmem:$0x1FFE0];
	v23 =	vadd.s32 s30, v16;
	v1 =	vadd.s32 v22, v0  }
0x196: {  	v60 =	vld [tilespmem:$0x1FFF0];
	v24 =	vadd.s32 s30, v17;
	v2 =	vadd.s32 v23, v0  }
0x197: {  	v36 =	vld [tilespmem:$0x1FFA0];
	v25 =	vadd.s32 s30, v18;
	v4 =	vadd.s32 v24, v0  }
0x198: {  	v63 =	vld [tilespmem:$0x1FFC0];
	v26 =	vadd.s32 s30, v11;
	v5 =	vadd.s32 v25, v0  }
0x199: {  	v39 =	vld [tilespmem:$0x1FFD0];
	v27 =	vadd.s32 s30, v12;
	v6 =	vadd.s32 v26, v0  }
0x19a: {  	v28 =	vadd.s32 s30, v13;
	v7 =	vadd.s32 v27, v0;
	v1 =	vld.idx.msk [tilespmem:v1+s22+$0x0], $0xffff  }
0x19b: {  	v8 =	vadd.s32 v28, v0;
	v2 =	vld.idx.msk [tilespmem:v2+s22+$0x0], $0xffff  }
0x19c: {  	v29 =	vadd.s32 s30, v14;
	v33 =	vld.idx.msk [tilespmem:v4+s22+$0x0], $0xffff  }
0x19d: {  	v32 =	vadd.s32 s30, v9;
	v38 =	vadd.s32 v29, v0;
	v34 =	vld.idx.msk [tilespmem:v5+s22+$0x0], $0xffff  }
0x19e: {  	v40 =	vlaneseq.u32;
	v35 =	vadd.s32 s30, v10;
	v41 =	vadd.s32 v32, v0;
	v6 =	vld.idx.msk [tilespmem:v6+s22+$0x0], $0xffff  }
0x19f: {  	v40 =	vor.u32 s30, v40;
	v42 =	vadd.s32 v35, v0;
	v7 =	vld.idx.msk [tilespmem:v7+s22+$0x0], $0xffff  }
0x1a0: {  	v49 =	vor.u32 v40, v0;
	v30 =	vadd.s32 s30, v30;
	v45 =	vld.idx.msk [tilespmem:v8+s22+$0x0], $0xffff  }
0x1a1: {  	v31 =	vadd.s32 s30, v60;
	v61 =	vadd.s32 v30, v0;
	v8 =	vld [tilespmem:$0x1FFB0]  }
0x1a2: {  	v39 =	vadd.s32 s30, v39;
	v62 =	vadd.s32 v31, v0;
	v44 =	vld.idx.msk [tilespmem:v38+s22+$0x0], $0xffff  }
0x1a3: {  	v48 =	vadd.s32 v39, v0;
	v38 =	vadd.s32 s30, v63;
	v51 =	vld.idx.msk [tilespmem:v41+s22+$0x0], $0xffff  }
0x1a4: {  	v41 =	vor.u32 s30, v19;
	v53 =	vld.idx.msk [tilespmem:v42+s22+$0x0], $0xffff;
	v47 =	vadd.s32 v38, v0  }
0x1a5: {  	v42 =	vor.u32 s30, v20;
	v56 =	vld.idx.msk [tilespmem:v49+s22+$0x0], $0xffff;
	v50 =	vor.u32 v0, v41  }
0x1a6: {  	v52 =	vor.u32 v0, v42;
	v4 =	vld.idx.msk [tilespmem:v61+s22+$0x0], $0xffff  }
0x1a7: {  	v5 =	vld.idx.msk [tilespmem:v62+s22+$0x0], $0xffff  }
0x1a8: {  	v55 =	vld.idx.msk [tilespmem:v48+s22+$0x0], $0xffff  }
0x1a9: {  	v54 =	vld.idx.msk [tilespmem:v47+s22+$0x0], $0xffff  }
0x1aa: {  	v61 =	vld.idx.msk [tilespmem:v50+s22+$0x0], $0xffff  }
0x1ab: {  	v36 =	vadd.s32 s30, v36;
	v52 =	vld.idx.msk [tilespmem:v52+s22+$0x0], $0xffff  }
0x1ac: {  	v37 =	vadd.s32 s30, v8;
	v8 =	vadd.s32 v36, v0;
	v47 =	vld.idx.msk [tilespmem:v1+s3+$0x0], $0xffff  }
0x1ad: {  	v43 =	vor.u32 s30, v21;
	v46 =	vadd.s32 v37, v0;
	v48 =	vld.idx.msk [tilespmem:v2+s3+$0x0], $0xffff  }
0x1ae: {  	v0 =	vor.u32 v0, v43;
	v49 =	vld.idx.msk [tilespmem:v6+s3+$0x0], $0xffff  }
0x1af: {  	v50 =	vld.idx.msk [tilespmem:v7+s3+$0x0], $0xffff  }
0x1b0: {  	v2 =	vld.idx.msk [tilespmem:v56+s3+$0x0], $0xffff  }
0x1b1: {  	v8 =	vld.idx.msk [tilespmem:v8+s22+$0x0], $0xffff  }
0x1b2: {  	v46 =	vld.idx.msk [tilespmem:v46+s22+$0x0], $0xffff  }
0x1b3: {  	v62 =	vld.idx.msk [tilespmem:v0+s22+$0x0], $0xffff  }
0x1b4: {  	v57 =	vld.idx.msk [tilespmem:v4+s3+$0x0], $0xffff  }
0x1b5: {  	v58 =	vld.idx.msk [tilespmem:v5+s3+$0x0], $0xffff  }
0x1b6: {  	v0 =	vld.idx.msk [tilespmem:v61+s3+$0x0], $0xffff  }
0x1b7: {  	v63 =	vld.idx.msk [tilespmem:v52+s3+$0x0], $0xffff  }
0x1b8: {  	v61 =	vld.idx.msk [tilespmem:v54+s3+$0x0], $0xffff  }
0x1b9: {  	v59 =	vld.idx.msk [tilespmem:v8+s3+$0x0], $0xffff  }
0x1ba: {  	v60 =	vld.idx.msk [tilespmem:v46+s3+$0x0], $0xffff  }
0x1bb: {  	v56 =	vimm.f32 $0.0e+00;
	v52 =	vimm.f32 $0.0e+00;
	v1 =	vld.idx.msk [tilespmem:v62+s3+$0x0], $0xffff  }
0x1bc: {  	s31 =	simm.s32 $0x0;
	v54 =	vimm.f32 $0.0e+00;
	v46 =	vadd.s32 $0x14, v3;
	v62 =	vld.idx.msk [tilespmem:v55+s3+$0x0], $0xffff;
	v55 =	vimm.f32 $0.0e+00  }
.LBB2_15:
0x1bd: {  	v3 =	vshll.u32 v46, $0x7;
	v4 =	vld.idx.msk [tilespmem:v51+s3+$0x0], $0xffff  }
0x1be: {  	v5 =	vadd.s32 v22, v3;
	v6 =	vld.idx.msk [tilespmem:v53+s3+$0x0], $0xffff  }
0x1bf: {  	v2 =	vadd.f32 v2, v52;
	v0 =	vadd.f32 v0, v56;
	v7 =	vadd.s32 v23, v3;
	v8 =	vld.idx.msk [tilespmem:v45+s3+$0x0], $0xffff  }
0x1c0: {  	v51 =	vadd.f32 v63, v54;
	v45 =	vadd.s32 v24, v3;
	v1 =	vadd.f32 v1, v55;
	v44 =	vld.idx.msk [tilespmem:v44+s3+$0x0], $0xffff  }
0x1c1: {  	v52 =	vadd.s32 v25, v3;
	v2 =	vadd.f32 v59, v2;
	v0 =	vadd.f32 v60, v0;
	v53 =	vld.idx.msk [tilespmem:v33+s3+$0x0], $0xffff  }
0x1c2: {  	v54 =	vadd.s32 v26, v3;
	v33 =	vadd.f32 v61, v51;
	v1 =	vadd.f32 v62, v1;
	v51 =	vld.idx.msk [tilespmem:v34+s3+$0x0], $0xffff  }
0x1c3: {  	v55 =	vadd.s32 v27, v3;
	v2 =	vadd.f32 v57, v2;
	v0 =	vadd.f32 v58, v0;
	v5 =	vld.idx.msk [tilespmem:v5+s22+$0x0], $0xffff  }
0x1c4: {  	v57 =	vadd.s32 v28, v3;
	v4 =	vadd.f32 v4, v33;
	v1 =	vadd.f32 v6, v1;
	v7 =	vld.idx.msk [tilespmem:v7+s22+$0x0], $0xffff  }
0x1c5: {  	v6 =	vadd.s32 v29, v3;
	v2 =	vadd.f32 v49, v2;
	v0 =	vadd.f32 v50, v0;
	v33 =	vld.idx.msk [tilespmem:v45+s22+$0x0], $0xffff  }
0x1c6: {  	v49 =	vadd.s32 v30, v3;
	v4 =	vadd.f32 v8, v4;
	v1 =	vadd.f32 v44, v1;
	v34 =	vld.idx.msk [tilespmem:v52+s22+$0x0], $0xffff  }
0x1c7: {  	v8 =	vadd.s32 v31, v3;
	v56 =	vadd.f32 v48, v0;
	v52 =	vadd.f32 v47, v2;
	v50 =	vld.idx.msk [tilespmem:v54+s22+$0x0], $0xffff  }
0x1c8: {  	v0 =	vadd.s32 v32, v3;
	v54 =	vadd.f32 v53, v4;
	v2 =	vld.idx.msk [tilespmem:v55+s22+$0x0], $0xffff;
	v55 =	vadd.f32 v51, v1  }
0x1c9: {  	v1 =	vadd.s32 v35, v3;
	v45 =	vld.idx.msk [tilespmem:v57+s22+$0x0], $0xffff  }
0x1ca: {  	v4 =	vadd.s32 v36, v3;
	v44 =	vld.idx.msk [tilespmem:v6+s22+$0x0], $0xffff  }
0x1cb: {  	v6 =	vadd.s32 v37, v3;
	v57 =	vld.idx.msk [tilespmem:v49+s22+$0x0], $0xffff  }
0x1cc: {  	v47 =	vadd.s32 v38, v3;
	v8 =	vld.idx.msk [tilespmem:v8+s22+$0x0], $0xffff  }
0x1cd: {  	v48 =	vadd.s32 v39, v3;
	v51 =	vld.idx.msk [tilespmem:v0+s22+$0x0], $0xffff  }
0x1ce: {  	v0 =	vor.u32 v40, v3;
	v53 =	vld.idx.msk [tilespmem:v1+s22+$0x0], $0xffff  }
0x1cf: {  	v1 =	vor.u32 v3, v41;
	v4 =	vld.idx.msk [tilespmem:v4+s22+$0x0], $0xffff  }
0x1d0: {  	v49 =	vor.u32 v3, v42;
	v6 =	vld.idx.msk [tilespmem:v6+s22+$0x0], $0xffff  }
0x1d1: {  	v3 =	vor.u32 v3, v43;
	v61 =	vld.idx.msk [tilespmem:v47+s22+$0x0], $0xffff  }
0x1d2: {  	v62 =	vld.idx.msk [tilespmem:v48+s22+$0x0], $0xffff  }
0x1d3: {  	v0 =	vld.idx.msk [tilespmem:v0+s22+$0x0], $0xffff  }
0x1d4: {  	s31 =	sadd.s32 $0x5, s31;
	v1 =	vld.idx.msk [tilespmem:v1+s22+$0x0], $0xffff  }
0x1d5: {  	p0 =	slt.u32 s31, $0x2D;
	v63 =	vld.idx.msk [tilespmem:v49+s22+$0x0], $0xffff  }
0x1d6: {  	v3 =	vld.idx.msk [tilespmem:v3+s22+$0x0], $0xffff  }
0x1d7: {  	v47 =	vld.idx.msk [tilespmem:v5+s3+$0x0], $0xffff  }
0x1d8: {  	v48 =	vld.idx.msk [tilespmem:v7+s3+$0x0], $0xffff  }
0x1d9: {  	v49 =	vld.idx.msk [tilespmem:v50+s3+$0x0], $0xffff  }
0x1da: {  	v50 =	vld.idx.msk [tilespmem:v2+s3+$0x0], $0xffff  }
0x1db: {  	v57 =	vld.idx.msk [tilespmem:v57+s3+$0x0], $0xffff  }
0x1dc: {  	v58 =	vld.idx.msk [tilespmem:v8+s3+$0x0], $0xffff  }
0x1dd: {  	v59 =	vld.idx.msk [tilespmem:v4+s3+$0x0], $0xffff  }
0x1de: {  	v60 =	vld.idx.msk [tilespmem:v6+s3+$0x0], $0xffff  }
0x1df: {  	v2 =	vld.idx.msk [tilespmem:v0+s3+$0x0], $0xffff  }
.Ltmp6:
0x1e0: {  	v0 =	vld.idx.msk [tilespmem:v1+s3+$0x0], $0xffff;
	(pc) =	sbr.rel @p0 .LBB2_15-.Ltmp6, $4  }
0x1e1: {  	v63 =	vld.idx.msk [tilespmem:v63+s3+$0x0], $0xffff  }
0x1e2: {  	v1 =	vld.idx.msk [tilespmem:v3+s3+$0x0], $0xffff  }
0x1e3: {  	v61 =	vld.idx.msk [tilespmem:v61+s3+$0x0], $0xffff  }
0x1e4: {  	v46 =	vadd.s32 $0x14, v46;
	v62 =	vld.idx.msk [tilespmem:v62+s3+$0x0], $0xffff  }
0x1e5: {  	_ =	sdelay $0x3  }
0x1e6: {  	v3 =	vld.idx.msk [tilespmem:v51+s3+$0x0], $0xffff  }
0x1e7: {  	v4 =	vld.idx.msk [tilespmem:v53+s3+$0x0], $0xffff;
	v2 =	vadd.f32 v2, v52;
	v0 =	vadd.f32 v0, v56  }
0x1e8: {  	v5 =	vld.idx.msk [tilespmem:v45+s3+$0x0], $0xffff;
	v6 =	vadd.f32 v63, v54;
	v1 =	vadd.f32 v1, v55  }
0x1e9: {  	v7 =	vld.idx.msk [tilespmem:v44+s3+$0x0], $0xffff;
	v2 =	vadd.f32 v59, v2;
	v0 =	vadd.f32 v60, v0  }
0x1ea: {  	v8 =	vld.idx.msk [tilespmem:v33+s3+$0x0], $0xffff;
	v6 =	vadd.f32 v61, v6;
	v1 =	vadd.f32 v62, v1  }
0x1eb: {  	v22 =	vld.idx.msk [tilespmem:v34+s3+$0x0], $0xffff;
	v2 =	vadd.f32 v57, v2;
	v0 =	vadd.f32 v58, v0  }
0x1ec: {  	v3 =	vadd.f32 v3, v6;
	v1 =	vadd.f32 v4, v1  }
0x1ed: {  	v2 =	vadd.f32 v49, v2;
	v0 =	vadd.f32 v50, v0  }
0x1ee: {  	v3 =	vadd.f32 v5, v3;
	v1 =	vadd.f32 v7, v1  }
0x1ef: {  	v2 =	vadd.f32 v47, v2;
	v0 =	vadd.f32 v48, v0  }
0x1f0: {  	v3 =	vadd.f32 v8, v3;
	v1 =	vadd.f32 v22, v1;
	_ =	sdelay $0x1  }
0x1f1: {  	v0 =	vadd.f32 v0, v2;
	v1 =	vadd.f32 v1, v3;
	_ =	sdelay $0x1  }
0x1f2: {  	v0 =	vadd.f32 v1, v0;
	_ =	sdelay $0x1  }
0x1f3: {  	v0 =	vmul.f32 $4.999999890e-03, v0;
	_ =	sdelay $0x1  }
0x1f4: {  	v0 =	vmul.f32 $1.442695020e+00, v0;
	_ =	sdelay $0x1  }
0x1f5: {  	(erf) = vpow2.f32 v0;
	_ =	sdelay $0x8  }
0x1f6: {  	v0 =	vpop (erf)  }
0x1f7: {  	v0 =	vadd.f32 $1.000000000e+00, v0;
	_ =	sdelay $0x1  }
0x1f8: {  	(erf) = vrcp.f32 v0;
	_ =	sdelay $0x5  }
0x1f9: {  	s29 =	sadd.s32 $0x1, s29  }
0x1fa: {  	p0 =	sne.s32 s29, $0x8  }
.Ltmp7:
0x1fb: {  	_ = 	snop;
	(pc) =	sbr.rel @p0 .LBB2_14-.Ltmp7, $4  }
0x1fc: {  	v0 =	vpop (erf)  }
0x1fd: {  	v63 =	vsub.f32 $1.000000000e+00, v0  }
0x1fe: {  	[tilespmem:s30+$0x13D80] =	vst v0  }
0x1ff: {  	[tilespmem:s30+$0x13E00] =	vst v63  }
0x200: {  	[hbm4b:s14+s3] =	stream.linear.scatter [tilespmem:s23], [sflag:$0x4], $0x80, $0x38;
	[tilespmem:$0x13E80] =	vst v63  }
0x201: {  	s28 =	sadd.s32 $0x1, s28;
	_ =	swait.ge [sflag:s24], $0x80  }
0x202: {  	p0 =	sne.s32 s28, s16;
	[sflag:s24] =	ssyncset.done $0x0  }
.Ltmp8:
0x203: {  	[sflag:s24] =	ssyncadd.s32 $0xFFFFFF80;
	(pc) =	sbr.rel @p0 .LBB2_1-.Ltmp8, $4  }
0x204: {  	[hbm4b:s15+s3] =	stream.linear.scatter [tilespmem:s25], [sflag:$0x4], $0x80, $0x38;
	[tilespmem:$0x13E80] =	vst v63  }
0x205: {  	_ =	swait.ge [sflag:s24], $0x80  }
0x206: {  	[sflag:s24] =	ssyncset.done $0x0  }
0x207: {  	[sflag:s24] =	ssyncadd.s32 $0xFFFFFF80  }
0x208: {  	_ =	sfence.sel $0x180000  }
0x209: {  	[bflag:$0x0] =	sbarrier.arrive $0xFFFF  }
0x20a: {  	p0 =	sne.s32 s2, $0x0;
	_ =	strace $0x90000047  }
0x20b: {  	s0 =	sadd.s32 @!p0 $0x100000, s0;
	[bflag:$0x2] =	sbarrier.arrive $0xFFFF  }
0x20c: {  	[sflag:s0] =	ssyncadd.tile.s32 @!p0 $0x1;
	_ =	shalt  }
.Lfunc_end2:
_tile_overlayer_lowered:
.L_overlay_start_2:
0x20d: {  	(tag) =	ssettag $0x2  }
0x20e: {  	s0 =	rddreg [dreg:$0x0];
	s2 =	stileid.u32  }
0x20f: {  	s1 =	rddreg [dreg:$0x1];
	p0 =	sne.s32 s2, $0x0  }
0x210: {  	s3 =	rddreg [dreg:$0x2];
	[bflag:$0x3] =	sbarrier.arrive $0xFFFF;
	s2 =	simm.s32 @!p0 $0x1C04  }
0x211: {  	[timem:s3], [sflag:s2] =	dma.local @!p0 [hbm:s0], s1  }
0x212: {  	s0 =	simm.s32 @!p0 $0x4  }
0x213: {  	_ =	swait.ge @!p0 [sflag:s0], s1  }
0x214: {  	s1 =	ssub.s32 @!p0 $0x0, s1;
	[sflag:s0] =	ssyncset.done @!p0 $0x0  }
0x215: {  	[sflag:s0] =	ssyncadd.s32 @!p0 s1  }
0x216: {  	[bflag:$0x3] =	sbarrier.arrive $0xFFFF  }
0x217: {  	_ =	shalt  }

</sc_bundles>
